<compile_context>
chip_gen: v7x
topology: tpu7x:2x2x1
jax: 0.10.2.dev20260603
libtpu: 0.0.44.dev20260713+nightly
codegen_flags: <defaults>
</compile_context>

<pallas_src>
import functools

import jax
import jax.numpy as jnp
from jax import lax
from jax.experimental import pallas as pl
from jax.experimental.pallas import tpu as pltpu
from jax.experimental.pallas import tpu_sc as plsc

N = 10000
E = 640000
R = 8
NB = 30
H1 = 64
H2 = 32

NC = 2
NS = 16
NW = NC * NS
EPW = E // NW
CHUNK = 80
NCHUNK = EPW // CHUNK
NBUF = 2
NP = 10240
RPT = NP // NS
LANES = 16
DW = 8

_mesh = plsc.VectorSubcoreMesh(
    core_axis_name="c", subcore_axis_name="s", num_cores=NC, num_subcores=NS)



BH = 8


def _w1_body(comp1_ref, basis_ref, out_ref):
    for hh in range(BH):
        out_ref[:, hh, :] = jnp.dot(comp1_ref[...], basis_ref[:, hh, :],
                                    preferred_element_type=jnp.float32)


def _build_w1(comp1, basis1_t):
    return pl.pallas_call(
        _w1_body,
        grid=(H1 // BH,),
        in_specs=[
            pl.BlockSpec((R, NB), lambda j: (0, 0)),
            pl.BlockSpec((NB, BH, N), lambda j: (0, j, 0)),
        ],
        out_specs=pl.BlockSpec((R, BH, N), lambda j: (0, j, 0)),
        out_shape=jax.ShapeDtypeStruct((R, H1, N), jnp.float32),
    )(comp1, basis1_t)


def _w2_body(comp2_ref, basis_ref, out_ref):
    out_ref[...] = jnp.dot(comp2_ref[...], basis_ref[...],
                           preferred_element_type=jnp.float32)


def _build_w2(comp2, basis2_flat):
    return pl.pallas_call(
        _w2_body,
        out_shape=jax.ShapeDtypeStruct((R, H1 * H2), jnp.float32),
    )(comp2, basis2_flat)


def _gidx_body(src_ref, rel_ref, g1_ref):
    g1_ref[...] = rel_ref[...] * N + src_ref[...]


def _build_gidx(src2d, rel2d):
    ROWS = E // 128
    BN = 1000
    return pl.pallas_call(
        _gidx_body,
        grid=(ROWS // BN,),
        in_specs=[
            pl.BlockSpec((BN, 128), lambda i: (i, 0)),
            pl.BlockSpec((BN, 128), lambda i: (i, 0)),
        ],
        out_specs=pl.BlockSpec((BN, 128), lambda i: (i, 0)),
        out_shape=jax.ShapeDtypeStruct((ROWS, 128), jnp.int32),
    )(src2d, rel2d)


def _h1_body(aggp_ref, degp_ref, root1_ref, bias1_ref, w2cat_ref, root2_ref,
             xw_ref, hroot_ref):
    dcol = (degp_ref[0] + degp_ref[1])[:, 0:1]
    invd = 1.0 / jnp.maximum(dcol, 1.0)
    a = aggp_ref[0] + aggp_ref[1]
    h1 = jnp.maximum(a * invd + root1_ref[...] + bias1_ref[...], 0.0)
    for r in range(R):
        xw_ref[r] = jnp.dot(h1, w2cat_ref[r], preferred_element_type=jnp.float32)
    hroot_ref[...] = jnp.dot(h1, root2_ref[...], preferred_element_type=jnp.float32)


def _build_h1(aggp, degp, root1, bias1_2d, w2cat, root2):
    BN = 2000
    return pl.pallas_call(
        _h1_body,
        grid=(N // BN,),
        in_specs=[
            pl.BlockSpec((NC, BN, H1), lambda i: (0, i, 0)),
            pl.BlockSpec((NC, BN, DW), lambda i: (0, i, 0)),
            pl.BlockSpec((BN, H1), lambda i: (i, 0)),
            pl.BlockSpec((1, H1), lambda i: (0, 0)),
            pl.BlockSpec((R, H1, H2), lambda i: (0, 0, 0)),
            pl.BlockSpec((H1, H2), lambda i: (0, 0)),
        ],
        out_specs=[
            pl.BlockSpec((R, BN, H2), lambda i: (0, i, 0)),
            pl.BlockSpec((BN, H2), lambda i: (i, 0)),
        ],
        out_shape=[
            jax.ShapeDtypeStruct((R, N, H2), jnp.float32),
            jax.ShapeDtypeStruct((N, H2), jnp.float32),
        ],
    )(aggp, degp, root1, bias1_2d, w2cat, root2)


def _out_body(agg2p_ref, degp_ref, hroot_ref, bias2_ref, out_ref):
    dcol = (degp_ref[0] + degp_ref[1])[:, 0:1]
    invd = 1.0 / jnp.maximum(dcol, 1.0)
    out_ref[...] = ((agg2p_ref[0] + agg2p_ref[1]) * invd
                    + hroot_ref[...] + bias2_ref[...])


def _build_out(agg2p, degp, hroot, bias2_2d):
    BN = 2000
    return pl.pallas_call(
        _out_body,
        grid=(N // BN,),
        in_specs=[
            pl.BlockSpec((NC, BN, H2), lambda i: (0, i, 0)),
            pl.BlockSpec((NC, BN, DW), lambda i: (0, i, 0)),
            pl.BlockSpec((BN, H2), lambda i: (i, 0)),
            pl.BlockSpec((1, H2), lambda i: (0, 0)),
        ],
        out_specs=pl.BlockSpec((BN, H2), lambda i: (i, 0)),
        out_shape=jax.ShapeDtypeStruct((N, H2), jnp.float32),
    )(agg2p, degp, hroot, bias2_2d)



def _sc_agg_body(width, conv1, gidx_hbm, dst_hbm, table_hbm, zrows_hbm,
                 zdeg_hbm, ones_hbm, agg_out, deg_out,
                 gidx_v, dst_v, rows_v, ones_v, acc_sh, deg_sh, *sems):
    c = lax.axis_index("c")
    s = lax.axis_index("s")
    w = c * NS + s

    pltpu.sync_copy(gidx_hbm.at[w], gidx_v.at[pl.ds(0, NCHUNK)])
    pltpu.sync_copy(dst_hbm.at[w], dst_v.at[pl.ds(0, NCHUNK)])

    pltpu.sync_copy(zrows_hbm, acc_sh.at[pl.ds(s * RPT, RPT)])
    if conv1:
        pltpu.sync_copy(zdeg_hbm, deg_sh.at[pl.ds(s * RPT, RPT)])
        pltpu.sync_copy(ones_hbm, ones_v)

    zi = jnp.zeros((LANES,), jnp.int32)
    ti = jnp.full((LANES,), NP - 1, jnp.int32)
    for k in range(NCHUNK, NCHUNK + NBUF):
        for j in range(CHUNK // LANES):
            gidx_v[k, pl.ds(j * LANES, LANES)] = zi
    for j in range(CHUNK // LANES):
        dst_v[NCHUNK, pl.ds(j * LANES, LANES)] = ti

    plsc.subcore_barrier()

    sem_g = sems[0:NBUF]
    sem_o = sems[NBUF:2 * NBUF] if conv1 else None

    for b in range(NBUF):
        pltpu.async_copy(table_hbm.at[gidx_v.at[b]], rows_v.at[b], sem_g[b])
        if conv1:
            pltpu.async_copy(ones_v, deg_sh.at[dst_v.at[NCHUNK]],
                             sem_o[b], add=True)

    def main_body(i, carry):
        k0 = i * NBUF
        for b in range(NBUF):
            k = k0 + b
            pltpu.make_async_copy(
                table_hbm.at[gidx_v.at[k]], rows_v.at[b], sem_g[b]).wait()
            pltpu.sync_copy(rows_v.at[b], acc_sh.at[dst_v.at[k]], add=True)
            if conv1:
                pltpu.make_async_copy(ones_v, deg_sh.at[dst_v.at[k]],
                                      sem_o[b]).wait()
                pltpu.async_copy(ones_v, deg_sh.at[dst_v.at[k]],
                                 sem_o[b], add=True)
            pltpu.async_copy(
                table_hbm.at[gidx_v.at[k + NBUF]], rows_v.at[b], sem_g[b])
        return carry

    lax.fori_loop(0, NCHUNK // NBUF, main_body, 0)

    for b in range(NBUF):
        pltpu.make_async_copy(
            table_hbm.at[gidx_v.at[NCHUNK]], rows_v.at[b], sem_g[b]).wait()
        if conv1:
            pltpu.make_async_copy(ones_v, deg_sh.at[dst_v.at[NCHUNK]],
                                  sem_o[b]).wait()

    plsc.subcore_barrier()
    pltpu.sync_copy(acc_sh.at[pl.ds(s * RPT, RPT)],
                    agg_out.at[pl.ds(c * NP + s * RPT, RPT)])
    if conv1:
        pltpu.sync_copy(deg_sh.at[pl.ds(s * RPT, RPT)],
                        deg_out.at[pl.ds(c * NP + s * RPT, RPT)])


def _make_sc_agg(width, conv1):
    out_type = [jax.ShapeDtypeStruct((NC * NP, width), jnp.float32)]
    scratch = [
        pltpu.VMEM((NCHUNK + NBUF, CHUNK), jnp.int32),
        pltpu.VMEM((NCHUNK + 1, CHUNK), jnp.int32),
        pltpu.VMEM((NBUF, CHUNK, width), jnp.float32),
        pltpu.VMEM((CHUNK, DW), jnp.float32),
        pltpu.VMEM_SHARED((NP, width), jnp.float32),
    ]
    if conv1:
        out_type.append(jax.ShapeDtypeStruct((NC * NP, DW), jnp.float32))
        scratch.append(pltpu.VMEM_SHARED((NP, DW), jnp.float32))
        body = functools.partial(_sc_agg_body, width, True)
    else:
        scratch.append(None)

        def body(gidx_hbm, dst_hbm, table_hbm, zrows_hbm, agg_out,
                 gidx_v, dst_v, rows_v, ones_v, acc_sh, *sems):
            _sc_agg_body(width, False, gidx_hbm, dst_hbm, table_hbm,
                         zrows_hbm, None, None, agg_out, None,
                         gidx_v, dst_v, rows_v, ones_v, acc_sh, None,
                         *sems)

    scratch = [sc for sc in scratch if sc is not None]
    scratch += [pltpu.SemaphoreType.DMA] * (NBUF * (2 if conv1 else 1))
    return functools.partial(
        pl.kernel,
        out_type=out_type if conv1 else out_type[0],
        mesh=_mesh,
        compiler_params=pltpu.CompilerParams(use_tc_tiling_on_sc=False),
        scratch_types=scratch,
    )(body)


_sc_agg1 = _make_sc_agg(H1, True)
_sc_agg2 = _make_sc_agg(H2, False)



def kernel(x, edge_index, edge_types, edge_timestamps, basis1, comp1, root1,
           bias1, basis2, comp2, root2, bias2):
    del x, edge_timestamps

    src = edge_index[0]
    dst = edge_index[1]
    rel = edge_types

    zdeg = jnp.zeros((RPT, DW), jnp.float32)
    ones_rows = jnp.ones((CHUNK, DW), jnp.float32)

    w1hn = _build_w1(comp1, jnp.swapaxes(basis1, 1, 2))
    w1t = jnp.swapaxes(w1hn, 1, 2).reshape(R * N, H1)
    w2f = _build_w2(comp2, basis2.reshape(NB, H1 * H2))
    w2cat = w2f.reshape(R, H1, H2)

    g1 = _build_gidx(src.reshape(E // 128, 128), rel.reshape(E // 128, 128))
    g1r = g1.reshape(NW, NCHUNK, CHUNK)
    dstr = dst.reshape(NW, NCHUNK, CHUNK)

    zrows1 = jnp.zeros((RPT, H1), jnp.float32)

    agg1p, degp = _sc_agg1(g1r, dstr, w1t, zrows1, zdeg, ones_rows)
    agg1p = agg1p.reshape(NC, NP, H1)
    degp = degp.reshape(NC, NP, DW)

    xw3, hroot = _build_h1(agg1p, degp, root1, bias1.reshape(1, H1), w2cat,
                           root2)
    xwt = xw3.reshape(R * N, H2)

    zrows2 = jnp.zeros((RPT, H2), jnp.float32)
    agg2p = _sc_agg2(g1r, dstr, xwt, zrows2)
    agg2p = agg2p.reshape(NC, NP, H2)

    return _build_out(agg2p, degp, hroot, bias2.reshape(1, H2))

# --- scband reference (transcript-rebuilt; emitter-appended) ---
"""Pipeline reference for scband-temporal-gnn-46986942218820 (READ-ONLY COPY).

The authoritative reference and input builder live on the scoring server;
editing this copy changes nothing except your own understanding.
"""

import jax, jax.numpy as jnp
import numpy as np

N = 10000
E = 640000
R = 8
NB = 30
H1 = 64
H2 = 32


def setup_inputs(seed: int = 0) -> dict:
    key = jax.random.key(seed)
    ks = jax.random.split(key, 12)
    x = jax.random.normal(ks[0], (N, 64), dtype=jnp.float32)
    edge_index = jax.random.randint(ks[1], (2, E), 0, N, dtype=jnp.int32)
    edge_types = jax.random.randint(ks[2], (E,), 0, R, dtype=jnp.int32)
    edge_timestamps = jax.random.uniform(ks[3], (E,), dtype=jnp.float32)
    # RGCNConv layer 1 (featureless input: in_channels = num_nodes)
    basis1 = jax.random.normal(ks[4], (NB, N, H1), dtype=jnp.float32) * 0.05
    comp1 = jax.random.normal(ks[5], (R, NB), dtype=jnp.float32) * 0.1
    root1 = jax.random.normal(ks[6], (N, H1), dtype=jnp.float32) * 0.05
    bias1 = jnp.zeros((H1,), dtype=jnp.float32)
    # RGCNConv layer 2 (64 -> 32)
    basis2 = jax.random.normal(ks[7], (NB, H1, H2), dtype=jnp.float32) * 0.05
    comp2 = jax.random.normal(ks[8], (R, NB), dtype=jnp.float32) * 0.1
    root2 = jax.random.normal(ks[9], (H1, H2), dtype=jnp.float32) * 0.05
    bias2 = jnp.zeros((H2,), dtype=jnp.float32)
    return {
        "x": x,
        "edge_index": edge_index,
        "edge_types": edge_types,
        "edge_timestamps": edge_timestamps,
        "basis1": basis1,
        "comp1": comp1,
        "root1": root1,
        "bias1": bias1,
        "basis2": basis2,
        "comp2": comp2,
        "root2": root2,
        "bias2": bias2,
    }


def reference(x, edge_index, edge_types, edge_timestamps, basis1, comp1, root1, bias1, basis2, comp2, root2, bias2):
    # Note: in the original module data.x and data.edge_timestamps are unused
    # (conv1 is called with x=None, i.e. one-hot node-id features).
    src = edge_index[0]
    dst = edge_index[1]
    num_nodes = root1.shape[0]

    # in-degree for mean aggregation (PyG RGCNConv aggr='mean')
    ones = jnp.ones((src.shape[0],), dtype=jnp.float32)
    deg = jax.ops.segment_sum(ones, dst, num_segments=num_nodes)
    deg = jnp.clip(deg, 1.0, None)

    # ---- conv1: featureless RGCN layer with basis decomposition ----
    # w1[r] = sum_b comp1[r,b] * basis1[b]  -> [R, N, H1]
    w1 = jnp.einsum('rb,bio->rio', comp1, basis1)
    # message for edge e: w1[rel_e, src_e, :]  (x one-hot -> row lookup)
    msg1 = w1[edge_types, src]
    agg1 = jax.ops.segment_sum(msg1, dst, num_segments=num_nodes) / deg[:, None]
    # root transform for one-hot input = root1[i]
    h1 = agg1 + root1 + bias1
    h1 = jax.nn.relu(h1)
    # dropout p=0.2 is identity in eval mode

    # ---- conv2: dense RGCN layer 64 -> 32 ----
    w2 = jnp.einsum('rb,bio->rio', comp2, basis2)  # [R, H1, H2]
    # precompute x @ w2[r] for all nodes/relations, then gather per edge
    xw = jnp.einsum('nd,rdo->nro', h1, w2)  # [N, R, H2]
    msg2 = xw[src, edge_types]
    agg2 = jax.ops.segment_sum(msg2, dst, num_segments=num_nodes) / deg[:, None]
    out = agg2 + h1 @ root2 + bias2
    return out

if __name__ == "__main__":
    import jax
    _d = setup_inputs()
    print(jax.jit(kernel)(*tuple(_d.values())))

</pallas_src>

<mosaic_0001>
#map = affine_map<(d0, d1) -> (0, 0, 0)>
#map1 = affine_map<(d0, d1) -> (0, 0)>
module attributes {stable_mosaic.version = 14 : i64} {
  func.func @_sc_agg_body(%arg0: i32, %arg1: i32, %arg2: memref<32x250x80xi32, #tpu.memory_space<hbm>>, %arg3: memref<32x250x80xi32, #tpu.memory_space<hbm>>, %arg4: memref<80000x64xf32, #tpu.memory_space<hbm>>, %arg5: memref<640x64xf32, #tpu.memory_space<hbm>>, %arg6: memref<640x8xf32, #tpu.memory_space<hbm>>, %arg7: memref<80x8xf32, #tpu.memory_space<hbm>>, %arg8: memref<20480x64xf32, #tpu.memory_space<hbm>>, %arg9: memref<20480x8xf32, #tpu.memory_space<hbm>>, %arg10: memref<252x80xi32, #tpu.memory_space<vmem>>, %arg11: memref<251x80xi32, #tpu.memory_space<vmem>>, %arg12: memref<2x80x64xf32, #tpu.memory_space<vmem>>, %arg13: memref<80x8xf32, #tpu.memory_space<vmem>>, %arg14: memref<10240x64xf32, #tpu.memory_space<vmem_shared>>, %arg15: memref<10240x8xf32, #tpu.memory_space<vmem_shared>>, %arg16: memref<!tpu.dma_semaphore, #tpu.memory_space<semaphore_mem>>, %arg17: memref<!tpu.dma_semaphore, #tpu.memory_space<semaphore_mem>>, %arg18: memref<!tpu.dma_semaphore, #tpu.memory_space<semaphore_mem>>, %arg19: memref<!tpu.dma_semaphore, #tpu.memory_space<semaphore_mem>>) attributes {dimension_semantics = [#tpu.dimension_semantics<core_parallel>, #tpu.dimension_semantics<subcore_parallel>], iteration_bounds = array<i64: 2, 16>, scalar_prefetch = 0 : i64, scratch_operands = 10 : i64, tpu.core_type = #tpu.core_type<sc_vector_subcore>, window_params = [{transform_indices = #map}, {transform_indices = #map}, {transform_indices = #map1}, {transform_indices = #map1}, {transform_indices = #map1}, {transform_indices = #map1}, {transform_indices = #map1}, {transform_indices = #map1}]} {
    %mul3A = arith.constant 16 : i32
    %mul3A_0 = arith.muli %arg0, %mul3A : i32
    %add3A = arith.addi %mul3A_0, %arg1 : i32
    "tpu.region"() ({
      %run_scoped3A = tpu.sem_alloc : memref<!tpu.dma_semaphore, #tpu.memory_space<semaphore_mem>>
      %dma_start3A_191 = arith.constant 0 : i32
      %dma_start3A_192 = arith.constant 0 : i32
      %dma_start3A_193 = tpu.memref_slice %arg10[%dma_start3A_191, %dma_start3A_192] : memref<252x80xi32, #tpu.memory_space<vmem>> -> memref<250x80xi32, #tpu.memory_space<vmem>>
      %dma_start3A_194 = arith.constant 0 : i32
      %dma_start3A_195 = arith.constant 0 : i32
      %dma_start3A_196 = tpu.memref_slice %arg2[%add3A, %dma_start3A_194, %dma_start3A_195] : memref<32x250x80xi32, #tpu.memory_space<hbm>> -> memref<1x250x80xi32, #tpu.memory_space<hbm>>
      %dma_start3A_197 = tpu.memref_squeeze %dma_start3A_196 : memref<1x250x80xi32, #tpu.memory_space<hbm>> -> memref<250x80xi32, #tpu.memory_space<hbm>>
      %dma_start3A_198 = arith.constant 0 : i32
      %dma_start3A_199 = arith.constant 0 : i32
      %dma_start3A_200 = tpu.memref_slice %arg10[%dma_start3A_198, %dma_start3A_199] : memref<252x80xi32, #tpu.memory_space<vmem>> -> memref<250x80xi32, #tpu.memory_space<vmem>>
      %dma_start3A_201 = arith.constant 0 : i32
      %dma_start3A_202 = arith.constant 0 : i32
      %dma_start3A_203 = tpu.memref_slice %arg2[%add3A, %dma_start3A_201, %dma_start3A_202] : memref<32x250x80xi32, #tpu.memory_space<hbm>> -> memref<1x250x80xi32, #tpu.memory_space<hbm>>
      %dma_start3A_204 = tpu.memref_squeeze %dma_start3A_203 : memref<1x250x80xi32, #tpu.memory_space<hbm>> -> memref<250x80xi32, #tpu.memory_space<hbm>>
      tpu.enqueue_dma source(%dma_start3A_204 : memref<250x80xi32, #tpu.memory_space<hbm>>) target(%dma_start3A_200 : memref<250x80xi32, #tpu.memory_space<vmem>>) target_semaphore(%run_scoped3A : memref<!tpu.dma_semaphore, #tpu.memory_space<semaphore_mem>>)
      %dma_wait3A_205 = arith.constant 0 : i32
      %dma_wait3A_206 = arith.constant 0 : i32
      %dma_wait3A_207 = tpu.memref_slice %arg10[%dma_wait3A_205, %dma_wait3A_206] : memref<252x80xi32, #tpu.memory_space<vmem>> -> memref<250x80xi32, #tpu.memory_space<vmem>>
      %dma_wait3A_208 = arith.constant 0 : i32
      %dma_wait3A_209 = arith.constant 0 : i32
      %dma_wait3A_210 = tpu.memref_slice %arg2[%add3A, %dma_wait3A_208, %dma_wait3A_209] : memref<32x250x80xi32, #tpu.memory_space<hbm>> -> memref<1x250x80xi32, #tpu.memory_space<hbm>>
      %dma_wait3A_211 = tpu.memref_squeeze %dma_wait3A_210 : memref<1x250x80xi32, #tpu.memory_space<hbm>> -> memref<250x80xi32, #tpu.memory_space<hbm>>
      %dma_wait3A_212 = arith.constant 0 : i32
      %dma_wait3A_213 = arith.constant 0 : i32
      %dma_wait3A_214 = tpu.memref_slice %arg10[%dma_wait3A_212, %dma_wait3A_213] : memref<252x80xi32, #tpu.memory_space<vmem>> -> memref<250x80xi32, #tpu.memory_space<vmem>>
      %dma_wait3A_215 = arith.constant 0 : i32
      %dma_wait3A_216 = arith.constant 0 : i32
      %dma_wait3A_217 = tpu.memref_slice %arg2[%add3A, %dma_wait3A_215, %dma_wait3A_216] : memref<32x250x80xi32, #tpu.memory_space<hbm>> -> memref<1x250x80xi32, #tpu.memory_space<hbm>>
      %dma_wait3A_218 = tpu.memref_squeeze %dma_wait3A_217 : memref<1x250x80xi32, #tpu.memory_space<hbm>> -> memref<250x80xi32, #tpu.memory_space<hbm>>
      tpu.wait_dma2 semaphore(%run_scoped3A : memref<!tpu.dma_semaphore, #tpu.memory_space<semaphore_mem>>) src(%dma_wait3A_218 : memref<250x80xi32, #tpu.memory_space<hbm>>) dst(%dma_wait3A_214 : memref<250x80xi32, #tpu.memory_space<vmem>>)
      tpu.yield
    }) : () -> ()
    "tpu.region"() ({
      %run_scoped3A = tpu.sem_alloc : memref<!tpu.dma_semaphore, #tpu.memory_space<semaphore_mem>>
      %dma_start3A_191 = arith.constant 0 : i32
      %dma_start3A_192 = arith.constant 0 : i32
      %dma_start3A_193 = tpu.memref_slice %arg11[%dma_start3A_191, %dma_start3A_192] : memref<251x80xi32, #tpu.memory_space<vmem>> -> memref<250x80xi32, #tpu.memory_space<vmem>>
      %dma_start3A_194 = arith.constant 0 : i32
      %dma_start3A_195 = arith.constant 0 : i32
      %dma_start3A_196 = tpu.memref_slice %arg3[%add3A, %dma_start3A_194, %dma_start3A_195] : memref<32x250x80xi32, #tpu.memory_space<hbm>> -> memref<1x250x80xi32, #tpu.memory_space<hbm>>
      %dma_start3A_197 = tpu.memref_squeeze %dma_start3A_196 : memref<1x250x80xi32, #tpu.memory_space<hbm>> -> memref<250x80xi32, #tpu.memory_space<hbm>>
      %dma_start3A_198 = arith.constant 0 : i32
      %dma_start3A_199 = arith.constant 0 : i32
      %dma_start3A_200 = tpu.memref_slice %arg11[%dma_start3A_198, %dma_start3A_199] : memref<251x80xi32, #tpu.memory_space<vmem>> -> memref<250x80xi32, #tpu.memory_space<vmem>>
      %dma_start3A_201 = arith.constant 0 : i32
      %dma_start3A_202 = arith.constant 0 : i32
      %dma_start3A_203 = tpu.memref_slice %arg3[%add3A, %dma_start3A_201, %dma_start3A_202] : memref<32x250x80xi32, #tpu.memory_space<hbm>> -> memref<1x250x80xi32, #tpu.memory_space<hbm>>
      %dma_start3A_204 = tpu.memref_squeeze %dma_start3A_203 : memref<1x250x80xi32, #tpu.memory_space<hbm>> -> memref<250x80xi32, #tpu.memory_space<hbm>>
      tpu.enqueue_dma source(%dma_start3A_204 : memref<250x80xi32, #tpu.memory_space<hbm>>) target(%dma_start3A_200 : memref<250x80xi32, #tpu.memory_space<vmem>>) target_semaphore(%run_scoped3A : memref<!tpu.dma_semaphore, #tpu.memory_space<semaphore_mem>>)
      %dma_wait3A_205 = arith.constant 0 : i32
      %dma_wait3A_206 = arith.constant 0 : i32
      %dma_wait3A_207 = tpu.memref_slice %arg11[%dma_wait3A_205, %dma_wait3A_206] : memref<251x80xi32, #tpu.memory_space<vmem>> -> memref<250x80xi32, #tpu.memory_space<vmem>>
      %dma_wait3A_208 = arith.constant 0 : i32
      %dma_wait3A_209 = arith.constant 0 : i32
      %dma_wait3A_210 = tpu.memref_slice %arg3[%add3A, %dma_wait3A_208, %dma_wait3A_209] : memref<32x250x80xi32, #tpu.memory_space<hbm>> -> memref<1x250x80xi32, #tpu.memory_space<hbm>>
      %dma_wait3A_211 = tpu.memref_squeeze %dma_wait3A_210 : memref<1x250x80xi32, #tpu.memory_space<hbm>> -> memref<250x80xi32, #tpu.memory_space<hbm>>
      %dma_wait3A_212 = arith.constant 0 : i32
      %dma_wait3A_213 = arith.constant 0 : i32
      %dma_wait3A_214 = tpu.memref_slice %arg11[%dma_wait3A_212, %dma_wait3A_213] : memref<251x80xi32, #tpu.memory_space<vmem>> -> memref<250x80xi32, #tpu.memory_space<vmem>>
      %dma_wait3A_215 = arith.constant 0 : i32
      %dma_wait3A_216 = arith.constant 0 : i32
      %dma_wait3A_217 = tpu.memref_slice %arg3[%add3A, %dma_wait3A_215, %dma_wait3A_216] : memref<32x250x80xi32, #tpu.memory_space<hbm>> -> memref<1x250x80xi32, #tpu.memory_space<hbm>>
      %dma_wait3A_218 = tpu.memref_squeeze %dma_wait3A_217 : memref<1x250x80xi32, #tpu.memory_space<hbm>> -> memref<250x80xi32, #tpu.memory_space<hbm>>
      tpu.wait_dma2 semaphore(%run_scoped3A : memref<!tpu.dma_semaphore, #tpu.memory_space<semaphore_mem>>) src(%dma_wait3A_218 : memref<250x80xi32, #tpu.memory_space<hbm>>) dst(%dma_wait3A_214 : memref<250x80xi32, #tpu.memory_space<vmem>>)
      tpu.yield
    }) : () -> ()
    %mul3A_1 = arith.constant 640 : i32
    %mul3A_2 = arith.muli %arg1, %mul3A_1 : i32
    "tpu.region"() ({
      %run_scoped3A = tpu.sem_alloc : memref<!tpu.dma_semaphore, #tpu.memory_space<semaphore_mem>>
      %dma_start3A_191 = arith.constant 0 : i32
      %dma_start3A_192 = tpu.memref_slice %arg14[%mul3A_2, %dma_start3A_191] : memref<10240x64xf32, #tpu.memory_space<vmem_shared>> -> memref<640x64xf32, #tpu.memory_space<vmem_shared>>
      tpu.enqueue_dma source(%arg5 : memref<640x64xf32, #tpu.memory_space<hbm>>) target(%dma_start3A_192 : memref<640x64xf32, #tpu.memory_space<vmem_shared>>) target_semaphore(%run_scoped3A : memref<!tpu.dma_semaphore, #tpu.memory_space<semaphore_mem>>)
      %dma_wait3A_193 = arith.constant 0 : i32
      %dma_wait3A_194 = tpu.memref_slice %arg14[%mul3A_2, %dma_wait3A_193] : memref<10240x64xf32, #tpu.memory_space<vmem_shared>> -> memref<640x64xf32, #tpu.memory_space<vmem_shared>>
      tpu.wait_dma2 semaphore(%run_scoped3A : memref<!tpu.dma_semaphore, #tpu.memory_space<semaphore_mem>>) src(%arg5 : memref<640x64xf32, #tpu.memory_space<hbm>>) dst(%dma_wait3A_194 : memref<640x64xf32, #tpu.memory_space<vmem_shared>>)
      tpu.yield
    }) : () -> ()
    %mul3A_3 = arith.constant 640 : i32
    %mul3A_4 = arith.muli %arg1, %mul3A_3 : i32
    "tpu.region"() ({
      %run_scoped3A = tpu.sem_alloc : memref<!tpu.dma_semaphore, #tpu.memory_space<semaphore_mem>>
      %dma_start3A_191 = arith.constant 0 : i32
      %dma_start3A_192 = tpu.memref_slice %arg15[%mul3A_4, %dma_start3A_191] : memref<10240x8xf32, #tpu.memory_space<vmem_shared>> -> memref<640x8xf32, #tpu.memory_space<vmem_shared>>
      tpu.enqueue_dma source(%arg6 : memref<640x8xf32, #tpu.memory_space<hbm>>) target(%dma_start3A_192 : memref<640x8xf32, #tpu.memory_space<vmem_shared>>) target_semaphore(%run_scoped3A : memref<!tpu.dma_semaphore, #tpu.memory_space<semaphore_mem>>)
      %dma_wait3A_193 = arith.constant 0 : i32
      %dma_wait3A_194 = tpu.memref_slice %arg15[%mul3A_4, %dma_wait3A_193] : memref<10240x8xf32, #tpu.memory_space<vmem_shared>> -> memref<640x8xf32, #tpu.memory_space<vmem_shared>>
      tpu.wait_dma2 semaphore(%run_scoped3A : memref<!tpu.dma_semaphore, #tpu.memory_space<semaphore_mem>>) src(%arg6 : memref<640x8xf32, #tpu.memory_space<hbm>>) dst(%dma_wait3A_194 : memref<640x8xf32, #tpu.memory_space<vmem_shared>>)
      tpu.yield
    }) : () -> ()
    "tpu.region"() ({
      %run_scoped3A = tpu.sem_alloc : memref<!tpu.dma_semaphore, #tpu.memory_space<semaphore_mem>>
      tpu.enqueue_dma source(%arg7 : memref<80x8xf32, #tpu.memory_space<hbm>>) target(%arg13 : memref<80x8xf32, #tpu.memory_space<vmem>>) target_semaphore(%run_scoped3A : memref<!tpu.dma_semaphore, #tpu.memory_space<semaphore_mem>>)
      tpu.wait_dma2 semaphore(%run_scoped3A : memref<!tpu.dma_semaphore, #tpu.memory_space<semaphore_mem>>) src(%arg7 : memref<80x8xf32, #tpu.memory_space<hbm>>) dst(%arg13 : memref<80x8xf32, #tpu.memory_space<vmem>>)
      tpu.yield
    }) : () -> ()
    %broadcast_in_dim3A = arith.constant 0 : i32
    %broadcast_in_dim3A_5 = vector.broadcast %broadcast_in_dim3A : i32 to vector<16xi32>
    %broadcast_in_dim3A_6 = arith.constant 10239 : i32
    %broadcast_in_dim3A_7 = vector.broadcast %broadcast_in_dim3A_6 : i32 to vector<16xi32>
    %swap3A = arith.constant 250 : i32
    %swap3A_8 = arith.index_cast %swap3A : i32 to index
    %swap3A_9 = arith.constant 0 : index
    %swap3A_10 = tpu.vector_load %arg10[%swap3A_8, %swap3A_9] {strides = array<i32>} : memref<252x80xi32, #tpu.memory_space<vmem>>, vector<1x16xi32>,
    %swap3A_11 = vector.shape_cast %swap3A_10 : vector<1x16xi32> to vector<16xi32>
    %swap3A_12 = vector.shape_cast %broadcast_in_dim3A_5 : vector<16xi32> to vector<1x16xi32>
    tpu.vector_store %arg10[%swap3A_8, %swap3A_9], %swap3A_12 {strides = array<i32>} : memref<252x80xi32, #tpu.memory_space<vmem>>, vector<1x16xi32>,
    %swap3A_13 = arith.constant 250 : i32
    %swap3A_14 = arith.index_cast %swap3A_13 : i32 to index
    %swap3A_15 = arith.constant 16 : index
    %swap3A_16 = tpu.vector_load %arg10[%swap3A_14, %swap3A_15] {strides = array<i32>} : memref<252x80xi32, #tpu.memory_space<vmem>>, vector<1x16xi32>,
    %swap3A_17 = vector.shape_cast %swap3A_16 : vector<1x16xi32> to vector<16xi32>
    %swap3A_18 = vector.shape_cast %broadcast_in_dim3A_5 : vector<16xi32> to vector<1x16xi32>
    tpu.vector_store %arg10[%swap3A_14, %swap3A_15], %swap3A_18 {strides = array<i32>} : memref<252x80xi32, #tpu.memory_space<vmem>>, vector<1x16xi32>,
    %swap3A_19 = arith.constant 250 : i32
    %swap3A_20 = arith.index_cast %swap3A_19 : i32 to index
    %swap3A_21 = arith.constant 32 : index
    %swap3A_22 = tpu.vector_load %arg10[%swap3A_20, %swap3A_21] {strides = array<i32>} : memref<252x80xi32, #tpu.memory_space<vmem>>, vector<1x16xi32>,
    %swap3A_23 = vector.shape_cast %swap3A_22 : vector<1x16xi32> to vector<16xi32>
    %swap3A_24 = vector.shape_cast %broadcast_in_dim3A_5 : vector<16xi32> to vector<1x16xi32>
    tpu.vector_store %arg10[%swap3A_20, %swap3A_21], %swap3A_24 {strides = array<i32>} : memref<252x80xi32, #tpu.memory_space<vmem>>, vector<1x16xi32>,
    %swap3A_25 = arith.constant 250 : i32
    %swap3A_26 = arith.index_cast %swap3A_25 : i32 to index
    %swap3A_27 = arith.constant 48 : index
    %swap3A_28 = tpu.vector_load %arg10[%swap3A_26, %swap3A_27] {strides = array<i32>} : memref<252x80xi32, #tpu.memory_space<vmem>>, vector<1x16xi32>,
    %swap3A_29 = vector.shape_cast %swap3A_28 : vector<1x16xi32> to vector<16xi32>
    %swap3A_30 = vector.shape_cast %broadcast_in_dim3A_5 : vector<16xi32> to vector<1x16xi32>
    tpu.vector_store %arg10[%swap3A_26, %swap3A_27], %swap3A_30 {strides = array<i32>} : memref<252x80xi32, #tpu.memory_space<vmem>>, vector<1x16xi32>,
    %swap3A_31 = arith.constant 250 : i32
    %swap3A_32 = arith.index_cast %swap3A_31 : i32 to index
    %swap3A_33 = arith.constant 64 : index
    %swap3A_34 = tpu.vector_load %arg10[%swap3A_32, %swap3A_33] {strides = array<i32>} : memref<252x80xi32, #tpu.memory_space<vmem>>, vector<1x16xi32>,
    %swap3A_35 = vector.shape_cast %swap3A_34 : vector<1x16xi32> to vector<16xi32>
    %swap3A_36 = vector.shape_cast %broadcast_in_dim3A_5 : vector<16xi32> to vector<1x16xi32>
    tpu.vector_store %arg10[%swap3A_32, %swap3A_33], %swap3A_36 {strides = array<i32>} : memref<252x80xi32, #tpu.memory_space<vmem>>, vector<1x16xi32>,
    %swap3A_37 = arith.constant 251 : i32
    %swap3A_38 = arith.index_cast %swap3A_37 : i32 to index
    %swap3A_39 = arith.constant 0 : index
    %swap3A_40 = tpu.vector_load %arg10[%swap3A_38, %swap3A_39] {strides = array<i32>} : memref<252x80xi32, #tpu.memory_space<vmem>>, vector<1x16xi32>,
    %swap3A_41 = vector.shape_cast %swap3A_40 : vector<1x16xi32> to vector<16xi32>
    %swap3A_42 = vector.shape_cast %broadcast_in_dim3A_5 : vector<16xi32> to vector<1x16xi32>
    tpu.vector_store %arg10[%swap3A_38, %swap3A_39], %swap3A_42 {strides = array<i32>} : memref<252x80xi32, #tpu.memory_space<vmem>>, vector<1x16xi32>,
    %swap3A_43 = arith.constant 251 : i32
    %swap3A_44 = arith.index_cast %swap3A_43 : i32 to index
    %swap3A_45 = arith.constant 16 : index
    %swap3A_46 = tpu.vector_load %arg10[%swap3A_44, %swap3A_45] {strides = array<i32>} : memref<252x80xi32, #tpu.memory_space<vmem>>, vector<1x16xi32>,
    %swap3A_47 = vector.shape_cast %swap3A_46 : vector<1x16xi32> to vector<16xi32>
    %swap3A_48 = vector.shape_cast %broadcast_in_dim3A_5 : vector<16xi32> to vector<1x16xi32>
    tpu.vector_store %arg10[%swap3A_44, %swap3A_45], %swap3A_48 {strides = array<i32>} : memref<252x80xi32, #tpu.memory_space<vmem>>, vector<1x16xi32>,
    %swap3A_49 = arith.constant 251 : i32
    %swap3A_50 = arith.index_cast %swap3A_49 : i32 to index
    %swap3A_51 = arith.constant 32 : index
    %swap3A_52 = tpu.vector_load %arg10[%swap3A_50, %swap3A_51] {strides = array<i32>} : memref<252x80xi32, #tpu.memory_space<vmem>>, vector<1x16xi32>,
    %swap3A_53 = vector.shape_cast %swap3A_52 : vector<1x16xi32> to vector<16xi32>
    %swap3A_54 = vector.shape_cast %broadcast_in_dim3A_5 : vector<16xi32> to vector<1x16xi32>
    tpu.vector_store %arg10[%swap3A_50, %swap3A_51], %swap3A_54 {strides = array<i32>} : memref<252x80xi32, #tpu.memory_space<vmem>>, vector<1x16xi32>,
    %swap3A_55 = arith.constant 251 : i32
    %swap3A_56 = arith.index_cast %swap3A_55 : i32 to index
    %swap3A_57 = arith.constant 48 : index
    %swap3A_58 = tpu.vector_load %arg10[%swap3A_56, %swap3A_57] {strides = array<i32>} : memref<252x80xi32, #tpu.memory_space<vmem>>, vector<1x16xi32>,
    %swap3A_59 = vector.shape_cast %swap3A_58 : vector<1x16xi32> to vector<16xi32>
    %swap3A_60 = vector.shape_cast %broadcast_in_dim3A_5 : vector<16xi32> to vector<1x16xi32>
    tpu.vector_store %arg10[%swap3A_56, %swap3A_57], %swap3A_60 {strides = array<i32>} : memref<252x80xi32, #tpu.memory_space<vmem>>, vector<1x16xi32>,
    %swap3A_61 = arith.constant 251 : i32
    %swap3A_62 = arith.index_cast %swap3A_61 : i32 to index
    %swap3A_63 = arith.constant 64 : index
    %swap3A_64 = tpu.vector_load %arg10[%swap3A_62, %swap3A_63] {strides = array<i32>} : memref<252x80xi32, #tpu.memory_space<vmem>>, vector<1x16xi32>,
    %swap3A_65 = vector.shape_cast %swap3A_64 : vector<1x16xi32> to vector<16xi32>
    %swap3A_66 = vector.shape_cast %broadcast_in_dim3A_5 : vector<16xi32> to vector<1x16xi32>
    tpu.vector_store %arg10[%swap3A_62, %swap3A_63], %swap3A_66 {strides = array<i32>} : memref<252x80xi32, #tpu.memory_space<vmem>>, vector<1x16xi32>,
    %swap3A_67 = arith.constant 250 : i32
    %swap3A_68 = arith.index_cast %swap3A_67 : i32 to index
    %swap3A_69 = arith.constant 0 : index
    %swap3A_70 = tpu.vector_load %arg11[%swap3A_68, %swap3A_69] {strides = array<i32>} : memref<251x80xi32, #tpu.memory_space<vmem>>, vector<1x16xi32>,
    %swap3A_71 = vector.shape_cast %swap3A_70 : vector<1x16xi32> to vector<16xi32>
    %swap3A_72 = vector.shape_cast %broadcast_in_dim3A_7 : vector<16xi32> to vector<1x16xi32>
    tpu.vector_store %arg11[%swap3A_68, %swap3A_69], %swap3A_72 {strides = array<i32>} : memref<251x80xi32, #tpu.memory_space<vmem>>, vector<1x16xi32>,
    %swap3A_73 = arith.constant 250 : i32
    %swap3A_74 = arith.index_cast %swap3A_73 : i32 to index
    %swap3A_75 = arith.constant 16 : index
    %swap3A_76 = tpu.vector_load %arg11[%swap3A_74, %swap3A_75] {strides = array<i32>} : memref<251x80xi32, #tpu.memory_space<vmem>>, vector<1x16xi32>,
    %swap3A_77 = vector.shape_cast %swap3A_76 : vector<1x16xi32> to vector<16xi32>
    %swap3A_78 = vector.shape_cast %broadcast_in_dim3A_7 : vector<16xi32> to vector<1x16xi32>
    tpu.vector_store %arg11[%swap3A_74, %swap3A_75], %swap3A_78 {strides = array<i32>} : memref<251x80xi32, #tpu.memory_space<vmem>>, vector<1x16xi32>,
    %swap3A_79 = arith.constant 250 : i32
    %swap3A_80 = arith.index_cast %swap3A_79 : i32 to index
    %swap3A_81 = arith.constant 32 : index
    %swap3A_82 = tpu.vector_load %arg11[%swap3A_80, %swap3A_81] {strides = array<i32>} : memref<251x80xi32, #tpu.memory_space<vmem>>, vector<1x16xi32>,
    %swap3A_83 = vector.shape_cast %swap3A_82 : vector<1x16xi32> to vector<16xi32>
    %swap3A_84 = vector.shape_cast %broadcast_in_dim3A_7 : vector<16xi32> to vector<1x16xi32>
    tpu.vector_store %arg11[%swap3A_80, %swap3A_81], %swap3A_84 {strides = array<i32>} : memref<251x80xi32, #tpu.memory_space<vmem>>, vector<1x16xi32>,
    %swap3A_85 = arith.constant 250 : i32
    %swap3A_86 = arith.index_cast %swap3A_85 : i32 to index
    %swap3A_87 = arith.constant 48 : index
    %swap3A_88 = tpu.vector_load %arg11[%swap3A_86, %swap3A_87] {strides = array<i32>} : memref<251x80xi32, #tpu.memory_space<vmem>>, vector<1x16xi32>,
    %swap3A_89 = vector.shape_cast %swap3A_88 : vector<1x16xi32> to vector<16xi32>
    %swap3A_90 = vector.shape_cast %broadcast_in_dim3A_7 : vector<16xi32> to vector<1x16xi32>
    tpu.vector_store %arg11[%swap3A_86, %swap3A_87], %swap3A_90 {strides = array<i32>} : memref<251x80xi32, #tpu.memory_space<vmem>>, vector<1x16xi32>,
    %swap3A_91 = arith.constant 250 : i32
    %swap3A_92 = arith.index_cast %swap3A_91 : i32 to index
    %swap3A_93 = arith.constant 64 : index
    %swap3A_94 = tpu.vector_load %arg11[%swap3A_92, %swap3A_93] {strides = array<i32>} : memref<251x80xi32, #tpu.memory_space<vmem>>, vector<1x16xi32>,
    %swap3A_95 = vector.shape_cast %swap3A_94 : vector<1x16xi32> to vector<16xi32>
    %swap3A_96 = vector.shape_cast %broadcast_in_dim3A_7 : vector<16xi32> to vector<1x16xi32>
    tpu.vector_store %arg11[%swap3A_92, %swap3A_93], %swap3A_96 {strides = array<i32>} : memref<251x80xi32, #tpu.memory_space<vmem>>, vector<1x16xi32>,
    %barrier3A = arith.constant 0 : index
    tpu.barrier barrier_id(%barrier3A)
    %dma_start3A = arith.constant 0 : i32
    %dma_start3A_97 = arith.constant 0 : i32
    %dma_start3A_98 = arith.constant 0 : i32
    %dma_start3A_99 = arith.constant 0 : i32
    %dma_start3A_100 = tpu.memref_slice %arg12[%dma_start3A_97, %dma_start3A_98, %dma_start3A_99] : memref<2x80x64xf32, #tpu.memory_space<vmem>> -> memref<1x80x64xf32, #tpu.memory_space<vmem>>
    %dma_start3A_101 = tpu.memref_squeeze %dma_start3A_100 : memref<1x80x64xf32, #tpu.memory_space<vmem>> -> memref<80x64xf32, #tpu.memory_space<vmem>>
    %dma_start3A_102 = arith.constant 0 : i32
    %dma_start3A_103 = tpu.memref_slice %arg10[%dma_start3A, %dma_start3A_102] : memref<252x80xi32, #tpu.memory_space<vmem>> -> memref<1x80xi32, #tpu.memory_space<vmem>>
    %dma_start3A_104 = tpu.memref_squeeze %dma_start3A_103 : memref<1x80xi32, #tpu.memory_space<vmem>> -> memref<80xi32, #tpu.memory_space<vmem>>
    %dma_start3A_105 = arith.constant 0 : i32
    %dma_start3A_106 = arith.constant 0 : i32
    %dma_start3A_107 = tpu.memref_slice %arg4[%dma_start3A_105, %dma_start3A_106] : memref<80000x64xf32, #tpu.memory_space<hbm>> -> memref<80000x64xf32, #tpu.memory_space<hbm>>
    tpu.enqueue_indirect_dma source(%dma_start3A_107 : memref<80000x64xf32, #tpu.memory_space<hbm>>) target(%dma_start3A_101 : memref<80x64xf32, #tpu.memory_space<vmem>>) offsets(%dma_start3A_104 : memref<80xi32, #tpu.memory_space<vmem>>) semaphore(%arg16 : memref<!tpu.dma_semaphore, #tpu.memory_space<semaphore_mem>>)
    %dma_start3A_108 = arith.constant 250 : i32
    %dma_start3A_109 = arith.constant 0 : i32
    %dma_start3A_110 = tpu.memref_slice %arg11[%dma_start3A_108, %dma_start3A_109] : memref<251x80xi32, #tpu.memory_space<vmem>> -> memref<1x80xi32, #tpu.memory_space<vmem>>
    %dma_start3A_111 = tpu.memref_squeeze %dma_start3A_110 : memref<1x80xi32, #tpu.memory_space<vmem>> -> memref<80xi32, #tpu.memory_space<vmem>>
    %dma_start3A_112 = arith.constant 0 : i32
    %dma_start3A_113 = arith.constant 0 : i32
    %dma_start3A_114 = tpu.memref_slice %arg15[%dma_start3A_112, %dma_start3A_113] : memref<10240x8xf32, #tpu.memory_space<vmem_shared>> -> memref<10240x8xf32, #tpu.memory_space<vmem_shared>>
    tpu.enqueue_indirect_dma source(%arg13 : memref<80x8xf32, #tpu.memory_space<vmem>>) target(%dma_start3A_114 : memref<10240x8xf32, #tpu.memory_space<vmem_shared>>) offsets(%dma_start3A_111 : memref<80xi32, #tpu.memory_space<vmem>>) semaphore(%arg18 : memref<!tpu.dma_semaphore, #tpu.memory_space<semaphore_mem>>) {add = true}
    %dma_start3A_115 = arith.constant 1 : i32
    %dma_start3A_116 = arith.constant 1 : i32
    %dma_start3A_117 = arith.constant 0 : i32
    %dma_start3A_118 = arith.constant 0 : i32
    %dma_start3A_119 = tpu.memref_slice %arg12[%dma_start3A_116, %dma_start3A_117, %dma_start3A_118] : memref<2x80x64xf32, #tpu.memory_space<vmem>> -> memref<1x80x64xf32, #tpu.memory_space<vmem>>
    %dma_start3A_120 = tpu.memref_squeeze %dma_start3A_119 : memref<1x80x64xf32, #tpu.memory_space<vmem>> -> memref<80x64xf32, #tpu.memory_space<vmem>>
    %dma_start3A_121 = arith.constant 0 : i32
    %dma_start3A_122 = tpu.memref_slice %arg10[%dma_start3A_115, %dma_start3A_121] : memref<252x80xi32, #tpu.memory_space<vmem>> -> memref<1x80xi32, #tpu.memory_space<vmem>>
    %dma_start3A_123 = tpu.memref_squeeze %dma_start3A_122 : memref<1x80xi32, #tpu.memory_space<vmem>> -> memref<80xi32, #tpu.memory_space<vmem>>
    %dma_start3A_124 = arith.constant 0 : i32
    %dma_start3A_125 = arith.constant 0 : i32
    %dma_start3A_126 = tpu.memref_slice %arg4[%dma_start3A_124, %dma_start3A_125] : memref<80000x64xf32, #tpu.memory_space<hbm>> -> memref<80000x64xf32, #tpu.memory_space<hbm>>
    tpu.enqueue_indirect_dma source(%dma_start3A_126 : memref<80000x64xf32, #tpu.memory_space<hbm>>) target(%dma_start3A_120 : memref<80x64xf32, #tpu.memory_space<vmem>>) offsets(%dma_start3A_123 : memref<80xi32, #tpu.memory_space<vmem>>) semaphore(%arg17 : memref<!tpu.dma_semaphore, #tpu.memory_space<semaphore_mem>>)
    %dma_start3A_127 = arith.constant 250 : i32
    %dma_start3A_128 = arith.constant 0 : i32
    %dma_start3A_129 = tpu.memref_slice %arg11[%dma_start3A_127, %dma_start3A_128] : memref<251x80xi32, #tpu.memory_space<vmem>> -> memref<1x80xi32, #tpu.memory_space<vmem>>
    %dma_start3A_130 = tpu.memref_squeeze %dma_start3A_129 : memref<1x80xi32, #tpu.memory_space<vmem>> -> memref<80xi32, #tpu.memory_space<vmem>>
    %dma_start3A_131 = arith.constant 0 : i32
    %dma_start3A_132 = arith.constant 0 : i32
    %dma_start3A_133 = tpu.memref_slice %arg15[%dma_start3A_131, %dma_start3A_132] : memref<10240x8xf32, #tpu.memory_space<vmem_shared>> -> memref<10240x8xf32, #tpu.memory_space<vmem_shared>>
    tpu.enqueue_indirect_dma source(%arg13 : memref<80x8xf32, #tpu.memory_space<vmem>>) target(%dma_start3A_133 : memref<10240x8xf32, #tpu.memory_space<vmem_shared>>) offsets(%dma_start3A_130 : memref<80xi32, #tpu.memory_space<vmem>>) semaphore(%arg19 : memref<!tpu.dma_semaphore, #tpu.memory_space<semaphore_mem>>) {add = true}
    %scan3A = arith.constant 0 : i32
    %scan3A_134 = arith.constant 0 : i32
    %scan3A_135 = arith.constant 125 : i32
    %scan3A_136 = arith.addi %scan3A_134, %scan3A_135 : i32
    %scan3A_137 = arith.constant 1 : i32
    scf.for %scan3A_191 = %scan3A_134 to %scan3A_136 step %scan3A_137  : i32 {
      %mul3A_192 = arith.constant 2 : i32
      %mul3A_193 = arith.muli %scan3A_191, %mul3A_192 : i32
      %add3A_194 = arith.constant 0 : i32
      %add3A_195 = arith.addi %mul3A_193, %add3A_194 : i32
      %dma_wait3A_196 = arith.constant 0 : i32
      %dma_wait3A_197 = arith.constant 0 : i32
      %dma_wait3A_198 = arith.constant 0 : i32
      %dma_wait3A_199 = tpu.memref_slice %arg12[%dma_wait3A_196, %dma_wait3A_197, %dma_wait3A_198] : memref<2x80x64xf32, #tpu.memory_space<vmem>> -> memref<1x80x64xf32, #tpu.memory_space<vmem>>
      %dma_wait3A_200 = tpu.memref_squeeze %dma_wait3A_199 : memref<1x80x64xf32, #tpu.memory_space<vmem>> -> memref<80x64xf32, #tpu.memory_space<vmem>>
      %dma_wait3A_201 = arith.constant 0 : i32
      %dma_wait3A_202 = tpu.memref_slice %arg10[%add3A_195, %dma_wait3A_201] : memref<252x80xi32, #tpu.memory_space<vmem>> -> memref<1x80xi32, #tpu.memory_space<vmem>>
      %dma_wait3A_203 = tpu.memref_squeeze %dma_wait3A_202 : memref<1x80xi32, #tpu.memory_space<vmem>> -> memref<80xi32, #tpu.memory_space<vmem>>
      %dma_wait3A_204 = arith.constant 0 : i32
      %dma_wait3A_205 = arith.constant 0 : i32
      %dma_wait3A_206 = tpu.memref_slice %arg4[%dma_wait3A_204, %dma_wait3A_205] : memref<80000x64xf32, #tpu.memory_space<hbm>> -> memref<80000x64xf32, #tpu.memory_space<hbm>>
      tpu.wait_indirect_dma semaphore(%arg16 : memref<!tpu.dma_semaphore, #tpu.memory_space<semaphore_mem>>) src(%dma_wait3A_206 : memref<80000x64xf32, #tpu.memory_space<hbm>>) dst(%dma_wait3A_200 : memref<80x64xf32, #tpu.memory_space<vmem>>)
      %run_scoped3A = arith.constant 0 : i32
      "tpu.region"() ({
        %run_scoped3A_271 = tpu.sem_alloc : memref<!tpu.dma_semaphore, #tpu.memory_space<semaphore_mem>>
        %dma_start3A_272 = arith.constant 0 : i32
        %dma_start3A_273 = arith.constant 0 : i32
        %dma_start3A_274 = tpu.memref_slice %arg12[%run_scoped3A, %dma_start3A_272, %dma_start3A_273] : memref<2x80x64xf32, #tpu.memory_space<vmem>> -> memref<1x80x64xf32, #tpu.memory_space<vmem>>
        %dma_start3A_275 = tpu.memref_squeeze %dma_start3A_274 : memref<1x80x64xf32, #tpu.memory_space<vmem>> -> memref<80x64xf32, #tpu.memory_space<vmem>>
        %dma_start3A_276 = arith.constant 0 : i32
        %dma_start3A_277 = tpu.memref_slice %arg11[%add3A_195, %dma_start3A_276] : memref<251x80xi32, #tpu.memory_space<vmem>> -> memref<1x80xi32, #tpu.memory_space<vmem>>
        %dma_start3A_278 = tpu.memref_squeeze %dma_start3A_277 : memref<1x80xi32, #tpu.memory_space<vmem>> -> memref<80xi32, #tpu.memory_space<vmem>>
        %dma_start3A_279 = arith.constant 0 : i32
        %dma_start3A_280 = arith.constant 0 : i32
        %dma_start3A_281 = tpu.memref_slice %arg14[%dma_start3A_279, %dma_start3A_280] : memref<10240x64xf32, #tpu.memory_space<vmem_shared>> -> memref<10240x64xf32, #tpu.memory_space<vmem_shared>>
        tpu.enqueue_indirect_dma source(%dma_start3A_275 : memref<80x64xf32, #tpu.memory_space<vmem>>) target(%dma_start3A_281 : memref<10240x64xf32, #tpu.memory_space<vmem_shared>>) offsets(%dma_start3A_278 : memref<80xi32, #tpu.memory_space<vmem>>) semaphore(%run_scoped3A_271 : memref<!tpu.dma_semaphore, #tpu.memory_space<semaphore_mem>>) {add = true}
        %dma_wait3A_282 = arith.constant 0 : i32
        %dma_wait3A_283 = arith.constant 0 : i32
        %dma_wait3A_284 = tpu.memref_slice %arg12[%run_scoped3A, %dma_wait3A_282, %dma_wait3A_283] : memref<2x80x64xf32, #tpu.memory_space<vmem>> -> memref<1x80x64xf32, #tpu.memory_space<vmem>>
        %dma_wait3A_285 = tpu.memref_squeeze %dma_wait3A_284 : memref<1x80x64xf32, #tpu.memory_space<vmem>> -> memref<80x64xf32, #tpu.memory_space<vmem>>
        %dma_wait3A_286 = arith.constant 0 : i32
        %dma_wait3A_287 = tpu.memref_slice %arg11[%add3A_195, %dma_wait3A_286] : memref<251x80xi32, #tpu.memory_space<vmem>> -> memref<1x80xi32, #tpu.memory_space<vmem>>
        %dma_wait3A_288 = tpu.memref_squeeze %dma_wait3A_287 : memref<1x80xi32, #tpu.memory_space<vmem>> -> memref<80xi32, #tpu.memory_space<vmem>>
        %dma_wait3A_289 = arith.constant 0 : i32
        %dma_wait3A_290 = arith.constant 0 : i32
        %dma_wait3A_291 = tpu.memref_slice %arg14[%dma_wait3A_289, %dma_wait3A_290] : memref<10240x64xf32, #tpu.memory_space<vmem_shared>> -> memref<10240x64xf32, #tpu.memory_space<vmem_shared>>
        tpu.wait_indirect_dma semaphore(%run_scoped3A_271 : memref<!tpu.dma_semaphore, #tpu.memory_space<semaphore_mem>>) src(%dma_wait3A_285 : memref<80x64xf32, #tpu.memory_space<vmem>>) dst(%dma_wait3A_291 : memref<10240x64xf32, #tpu.memory_space<vmem_shared>>)
        tpu.yield
      }) : () -> ()
      %dma_wait3A_207 = arith.constant 0 : i32
      %dma_wait3A_208 = tpu.memref_slice %arg11[%add3A_195, %dma_wait3A_207] : memref<251x80xi32, #tpu.memory_space<vmem>> -> memref<1x80xi32, #tpu.memory_space<vmem>>
      %dma_wait3A_209 = tpu.memref_squeeze %dma_wait3A_208 : memref<1x80xi32, #tpu.memory_space<vmem>> -> memref<80xi32, #tpu.memory_space<vmem>>
      %dma_wait3A_210 = arith.constant 0 : i32
      %dma_wait3A_211 = arith.constant 0 : i32
      %dma_wait3A_212 = tpu.memref_slice %arg15[%dma_wait3A_210, %dma_wait3A_211] : memref<10240x8xf32, #tpu.memory_space<vmem_shared>> -> memref<10240x8xf32, #tpu.memory_space<vmem_shared>>
      tpu.wait_indirect_dma semaphore(%arg18 : memref<!tpu.dma_semaphore, #tpu.memory_space<semaphore_mem>>) src(%arg13 : memref<80x8xf32, #tpu.memory_space<vmem>>) dst(%dma_wait3A_212 : memref<10240x8xf32, #tpu.memory_space<vmem_shared>>)
      %dma_start3A_213 = arith.constant 0 : i32
      %dma_start3A_214 = tpu.memref_slice %arg11[%add3A_195, %dma_start3A_213] : memref<251x80xi32, #tpu.memory_space<vmem>> -> memref<1x80xi32, #tpu.memory_space<vmem>>
      %dma_start3A_215 = tpu.memref_squeeze %dma_start3A_214 : memref<1x80xi32, #tpu.memory_space<vmem>> -> memref<80xi32, #tpu.memory_space<vmem>>
      %dma_start3A_216 = arith.constant 0 : i32
      %dma_start3A_217 = arith.constant 0 : i32
      %dma_start3A_218 = tpu.memref_slice %arg15[%dma_start3A_216, %dma_start3A_217] : memref<10240x8xf32, #tpu.memory_space<vmem_shared>> -> memref<10240x8xf32, #tpu.memory_space<vmem_shared>>
      tpu.enqueue_indirect_dma source(%arg13 : memref<80x8xf32, #tpu.memory_space<vmem>>) target(%dma_start3A_218 : memref<10240x8xf32, #tpu.memory_space<vmem_shared>>) offsets(%dma_start3A_215 : memref<80xi32, #tpu.memory_space<vmem>>) semaphore(%arg18 : memref<!tpu.dma_semaphore, #tpu.memory_space<semaphore_mem>>) {add = true}
      %add3A_219 = arith.constant 2 : i32
      %add3A_220 = arith.addi %add3A_195, %add3A_219 : i32
      %dma_start3A_221 = arith.constant 0 : i32
      %dma_start3A_222 = arith.constant 0 : i32
      %dma_start3A_223 = arith.constant 0 : i32
      %dma_start3A_224 = tpu.memref_slice %arg12[%dma_start3A_221, %dma_start3A_222, %dma_start3A_223] : memref<2x80x64xf32, #tpu.memory_space<vmem>> -> memref<1x80x64xf32, #tpu.memory_space<vmem>>
      %dma_start3A_225 = tpu.memref_squeeze %dma_start3A_224 : memref<1x80x64xf32, #tpu.memory_space<vmem>> -> memref<80x64xf32, #tpu.memory_space<vmem>>
      %dma_start3A_226 = arith.constant 0 : i32
      %dma_start3A_227 = tpu.memref_slice %arg10[%add3A_220, %dma_start3A_226] : memref<252x80xi32, #tpu.memory_space<vmem>> -> memref<1x80xi32, #tpu.memory_space<vmem>>
      %dma_start3A_228 = tpu.memref_squeeze %dma_start3A_227 : memref<1x80xi32, #tpu.memory_space<vmem>> -> memref<80xi32, #tpu.memory_space<vmem>>
      %dma_start3A_229 = arith.constant 0 : i32
      %dma_start3A_230 = arith.constant 0 : i32
      %dma_start3A_231 = tpu.memref_slice %arg4[%dma_start3A_229, %dma_start3A_230] : memref<80000x64xf32, #tpu.memory_space<hbm>> -> memref<80000x64xf32, #tpu.memory_space<hbm>>
      tpu.enqueue_indirect_dma source(%dma_start3A_231 : memref<80000x64xf32, #tpu.memory_space<hbm>>) target(%dma_start3A_225 : memref<80x64xf32, #tpu.memory_space<vmem>>) offsets(%dma_start3A_228 : memref<80xi32, #tpu.memory_space<vmem>>) semaphore(%arg16 : memref<!tpu.dma_semaphore, #tpu.memory_space<semaphore_mem>>)
      %add3A_232 = arith.constant 1 : i32
      %add3A_233 = arith.addi %mul3A_193, %add3A_232 : i32
      %dma_wait3A_234 = arith.constant 1 : i32
      %dma_wait3A_235 = arith.constant 0 : i32
      %dma_wait3A_236 = arith.constant 0 : i32
      %dma_wait3A_237 = tpu.memref_slice %arg12[%dma_wait3A_234, %dma_wait3A_235, %dma_wait3A_236] : memref<2x80x64xf32, #tpu.memory_space<vmem>> -> memref<1x80x64xf32, #tpu.memory_space<vmem>>
      %dma_wait3A_238 = tpu.memref_squeeze %dma_wait3A_237 : memref<1x80x64xf32, #tpu.memory_space<vmem>> -> memref<80x64xf32, #tpu.memory_space<vmem>>
      %dma_wait3A_239 = arith.constant 0 : i32
      %dma_wait3A_240 = tpu.memref_slice %arg10[%add3A_233, %dma_wait3A_239] : memref<252x80xi32, #tpu.memory_space<vmem>> -> memref<1x80xi32, #tpu.memory_space<vmem>>
      %dma_wait3A_241 = tpu.memref_squeeze %dma_wait3A_240 : memref<1x80xi32, #tpu.memory_space<vmem>> -> memref<80xi32, #tpu.memory_space<vmem>>
      %dma_wait3A_242 = arith.constant 0 : i32
      %dma_wait3A_243 = arith.constant 0 : i32
      %dma_wait3A_244 = tpu.memref_slice %arg4[%dma_wait3A_242, %dma_wait3A_243] : memref<80000x64xf32, #tpu.memory_space<hbm>> -> memref<80000x64xf32, #tpu.memory_space<hbm>>
      tpu.wait_indirect_dma semaphore(%arg17 : memref<!tpu.dma_semaphore, #tpu.memory_space<semaphore_mem>>) src(%dma_wait3A_244 : memref<80000x64xf32, #tpu.memory_space<hbm>>) dst(%dma_wait3A_238 : memref<80x64xf32, #tpu.memory_space<vmem>>)
      %run_scoped3A_245 = arith.constant 1 : i32
      "tpu.region"() ({
        %run_scoped3A_271 = tpu.sem_alloc : memref<!tpu.dma_semaphore, #tpu.memory_space<semaphore_mem>>
        %dma_start3A_272 = arith.constant 0 : i32
        %dma_start3A_273 = arith.constant 0 : i32
        %dma_start3A_274 = tpu.memref_slice %arg12[%run_scoped3A_245, %dma_start3A_272, %dma_start3A_273] : memref<2x80x64xf32, #tpu.memory_space<vmem>> -> memref<1x80x64xf32, #tpu.memory_space<vmem>>
        %dma_start3A_275 = tpu.memref_squeeze %dma_start3A_274 : memref<1x80x64xf32, #tpu.memory_space<vmem>> -> memref<80x64xf32, #tpu.memory_space<vmem>>
        %dma_start3A_276 = arith.constant 0 : i32
        %dma_start3A_277 = tpu.memref_slice %arg11[%add3A_233, %dma_start3A_276] : memref<251x80xi32, #tpu.memory_space<vmem>> -> memref<1x80xi32, #tpu.memory_space<vmem>>
        %dma_start3A_278 = tpu.memref_squeeze %dma_start3A_277 : memref<1x80xi32, #tpu.memory_space<vmem>> -> memref<80xi32, #tpu.memory_space<vmem>>
        %dma_start3A_279 = arith.constant 0 : i32
        %dma_start3A_280 = arith.constant 0 : i32
        %dma_start3A_281 = tpu.memref_slice %arg14[%dma_start3A_279, %dma_start3A_280] : memref<10240x64xf32, #tpu.memory_space<vmem_shared>> -> memref<10240x64xf32, #tpu.memory_space<vmem_shared>>
        tpu.enqueue_indirect_dma source(%dma_start3A_275 : memref<80x64xf32, #tpu.memory_space<vmem>>) target(%dma_start3A_281 : memref<10240x64xf32, #tpu.memory_space<vmem_shared>>) offsets(%dma_start3A_278 : memref<80xi32, #tpu.memory_space<vmem>>) semaphore(%run_scoped3A_271 : memref<!tpu.dma_semaphore, #tpu.memory_space<semaphore_mem>>) {add = true}
        %dma_wait3A_282 = arith.constant 0 : i32
        %dma_wait3A_283 = arith.constant 0 : i32
        %dma_wait3A_284 = tpu.memref_slice %arg12[%run_scoped3A_245, %dma_wait3A_282, %dma_wait3A_283] : memref<2x80x64xf32, #tpu.memory_space<vmem>> -> memref<1x80x64xf32, #tpu.memory_space<vmem>>
        %dma_wait3A_285 = tpu.memref_squeeze %dma_wait3A_284 : memref<1x80x64xf32, #tpu.memory_space<vmem>> -> memref<80x64xf32, #tpu.memory_space<vmem>>
        %dma_wait3A_286 = arith.constant 0 : i32
        %dma_wait3A_287 = tpu.memref_slice %arg11[%add3A_233, %dma_wait3A_286] : memref<251x80xi32, #tpu.memory_space<vmem>> -> memref<1x80xi32, #tpu.memory_space<vmem>>
        %dma_wait3A_288 = tpu.memref_squeeze %dma_wait3A_287 : memref<1x80xi32, #tpu.memory_space<vmem>> -> memref<80xi32, #tpu.memory_space<vmem>>
        %dma_wait3A_289 = arith.constant 0 : i32
        %dma_wait3A_290 = arith.constant 0 : i32
        %dma_wait3A_291 = tpu.memref_slice %arg14[%dma_wait3A_289, %dma_wait3A_290] : memref<10240x64xf32, #tpu.memory_space<vmem_shared>> -> memref<10240x64xf32, #tpu.memory_space<vmem_shared>>
        tpu.wait_indirect_dma semaphore(%run_scoped3A_271 : memref<!tpu.dma_semaphore, #tpu.memory_space<semaphore_mem>>) src(%dma_wait3A_285 : memref<80x64xf32, #tpu.memory_space<vmem>>) dst(%dma_wait3A_291 : memref<10240x64xf32, #tpu.memory_space<vmem_shared>>)
        tpu.yield
      }) : () -> ()
      %dma_wait3A_246 = arith.constant 0 : i32
      %dma_wait3A_247 = tpu.memref_slice %arg11[%add3A_233, %dma_wait3A_246] : memref<251x80xi32, #tpu.memory_space<vmem>> -> memref<1x80xi32, #tpu.memory_space<vmem>>
      %dma_wait3A_248 = tpu.memref_squeeze %dma_wait3A_247 : memref<1x80xi32, #tpu.memory_space<vmem>> -> memref<80xi32, #tpu.memory_space<vmem>>
      %dma_wait3A_249 = arith.constant 0 : i32
      %dma_wait3A_250 = arith.constant 0 : i32
      %dma_wait3A_251 = tpu.memref_slice %arg15[%dma_wait3A_249, %dma_wait3A_250] : memref<10240x8xf32, #tpu.memory_space<vmem_shared>> -> memref<10240x8xf32, #tpu.memory_space<vmem_shared>>
      tpu.wait_indirect_dma semaphore(%arg19 : memref<!tpu.dma_semaphore, #tpu.memory_space<semaphore_mem>>) src(%arg13 : memref<80x8xf32, #tpu.memory_space<vmem>>) dst(%dma_wait3A_251 : memref<10240x8xf32, #tpu.memory_space<vmem_shared>>)
      %dma_start3A_252 = arith.constant 0 : i32
      %dma_start3A_253 = tpu.memref_slice %arg11[%add3A_233, %dma_start3A_252] : memref<251x80xi32, #tpu.memory_space<vmem>> -> memref<1x80xi32, #tpu.memory_space<vmem>>
      %dma_start3A_254 = tpu.memref_squeeze %dma_start3A_253 : memref<1x80xi32, #tpu.memory_space<vmem>> -> memref<80xi32, #tpu.memory_space<vmem>>
      %dma_start3A_255 = arith.constant 0 : i32
      %dma_start3A_256 = arith.constant 0 : i32
      %dma_start3A_257 = tpu.memref_slice %arg15[%dma_start3A_255, %dma_start3A_256] : memref<10240x8xf32, #tpu.memory_space<vmem_shared>> -> memref<10240x8xf32, #tpu.memory_space<vmem_shared>>
      tpu.enqueue_indirect_dma source(%arg13 : memref<80x8xf32, #tpu.memory_space<vmem>>) target(%dma_start3A_257 : memref<10240x8xf32, #tpu.memory_space<vmem_shared>>) offsets(%dma_start3A_254 : memref<80xi32, #tpu.memory_space<vmem>>) semaphore(%arg19 : memref<!tpu.dma_semaphore, #tpu.memory_space<semaphore_mem>>) {add = true}
      %add3A_258 = arith.constant 2 : i32
      %add3A_259 = arith.addi %add3A_233, %add3A_258 : i32
      %dma_start3A_260 = arith.constant 1 : i32
      %dma_start3A_261 = arith.constant 0 : i32
      %dma_start3A_262 = arith.constant 0 : i32
      %dma_start3A_263 = tpu.memref_slice %arg12[%dma_start3A_260, %dma_start3A_261, %dma_start3A_262] : memref<2x80x64xf32, #tpu.memory_space<vmem>> -> memref<1x80x64xf32, #tpu.memory_space<vmem>>
      %dma_start3A_264 = tpu.memref_squeeze %dma_start3A_263 : memref<1x80x64xf32, #tpu.memory_space<vmem>> -> memref<80x64xf32, #tpu.memory_space<vmem>>
      %dma_start3A_265 = arith.constant 0 : i32
      %dma_start3A_266 = tpu.memref_slice %arg10[%add3A_259, %dma_start3A_265] : memref<252x80xi32, #tpu.memory_space<vmem>> -> memref<1x80xi32, #tpu.memory_space<vmem>>
      %dma_start3A_267 = tpu.memref_squeeze %dma_start3A_266 : memref<1x80xi32, #tpu.memory_space<vmem>> -> memref<80xi32, #tpu.memory_space<vmem>>
      %dma_start3A_268 = arith.constant 0 : i32
      %dma_start3A_269 = arith.constant 0 : i32
      %dma_start3A_270 = tpu.memref_slice %arg4[%dma_start3A_268, %dma_start3A_269] : memref<80000x64xf32, #tpu.memory_space<hbm>> -> memref<80000x64xf32, #tpu.memory_space<hbm>>
      tpu.enqueue_indirect_dma source(%dma_start3A_270 : memref<80000x64xf32, #tpu.memory_space<hbm>>) target(%dma_start3A_264 : memref<80x64xf32, #tpu.memory_space<vmem>>) offsets(%dma_start3A_267 : memref<80xi32, #tpu.memory_space<vmem>>) semaphore(%arg17 : memref<!tpu.dma_semaphore, #tpu.memory_space<semaphore_mem>>)
    }
    %scan3A_138 = arith.constant 125 : i32
    %dma_wait3A = arith.constant 250 : i32
    %dma_wait3A_139 = arith.constant 0 : i32
    %dma_wait3A_140 = arith.constant 0 : i32
    %dma_wait3A_141 = arith.constant 0 : i32
    %dma_wait3A_142 = tpu.memref_slice %arg12[%dma_wait3A_139, %dma_wait3A_140, %dma_wait3A_141] : memref<2x80x64xf32, #tpu.memory_space<vmem>> -> memref<1x80x64xf32, #tpu.memory_space<vmem>>
    %dma_wait3A_143 = tpu.memref_squeeze %dma_wait3A_142 : memref<1x80x64xf32, #tpu.memory_space<vmem>> -> memref<80x64xf32, #tpu.memory_space<vmem>>
    %dma_wait3A_144 = arith.constant 0 : i32
    %dma_wait3A_145 = tpu.memref_slice %arg10[%dma_wait3A, %dma_wait3A_144] : memref<252x80xi32, #tpu.memory_space<vmem>> -> memref<1x80xi32, #tpu.memory_space<vmem>>
    %dma_wait3A_146 = tpu.memref_squeeze %dma_wait3A_145 : memref<1x80xi32, #tpu.memory_space<vmem>> -> memref<80xi32, #tpu.memory_space<vmem>>
    %dma_wait3A_147 = arith.constant 0 : i32
    %dma_wait3A_148 = arith.constant 0 : i32
    %dma_wait3A_149 = tpu.memref_slice %arg4[%dma_wait3A_147, %dma_wait3A_148] : memref<80000x64xf32, #tpu.memory_space<hbm>> -> memref<80000x64xf32, #tpu.memory_space<hbm>>
    tpu.wait_indirect_dma semaphore(%arg16 : memref<!tpu.dma_semaphore, #tpu.memory_space<semaphore_mem>>) src(%dma_wait3A_149 : memref<80000x64xf32, #tpu.memory_space<hbm>>) dst(%dma_wait3A_143 : memref<80x64xf32, #tpu.memory_space<vmem>>)
    %dma_wait3A_150 = arith.constant 250 : i32
    %dma_wait3A_151 = arith.constant 0 : i32
    %dma_wait3A_152 = tpu.memref_slice %arg11[%dma_wait3A_150, %dma_wait3A_151] : memref<251x80xi32, #tpu.memory_space<vmem>> -> memref<1x80xi32, #tpu.memory_space<vmem>>
    %dma_wait3A_153 = tpu.memref_squeeze %dma_wait3A_152 : memref<1x80xi32, #tpu.memory_space<vmem>> -> memref<80xi32, #tpu.memory_space<vmem>>
    %dma_wait3A_154 = arith.constant 0 : i32
    %dma_wait3A_155 = arith.constant 0 : i32
    %dma_wait3A_156 = tpu.memref_slice %arg15[%dma_wait3A_154, %dma_wait3A_155] : memref<10240x8xf32, #tpu.memory_space<vmem_shared>> -> memref<10240x8xf32, #tpu.memory_space<vmem_shared>>
    tpu.wait_indirect_dma semaphore(%arg18 : memref<!tpu.dma_semaphore, #tpu.memory_space<semaphore_mem>>) src(%arg13 : memref<80x8xf32, #tpu.memory_space<vmem>>) dst(%dma_wait3A_156 : memref<10240x8xf32, #tpu.memory_space<vmem_shared>>)
    %dma_wait3A_157 = arith.constant 250 : i32
    %dma_wait3A_158 = arith.constant 1 : i32
    %dma_wait3A_159 = arith.constant 0 : i32
    %dma_wait3A_160 = arith.constant 0 : i32
    %dma_wait3A_161 = tpu.memref_slice %arg12[%dma_wait3A_158, %dma_wait3A_159, %dma_wait3A_160] : memref<2x80x64xf32, #tpu.memory_space<vmem>> -> memref<1x80x64xf32, #tpu.memory_space<vmem>>
    %dma_wait3A_162 = tpu.memref_squeeze %dma_wait3A_161 : memref<1x80x64xf32, #tpu.memory_space<vmem>> -> memref<80x64xf32, #tpu.memory_space<vmem>>
    %dma_wait3A_163 = arith.constant 0 : i32
    %dma_wait3A_164 = tpu.memref_slice %arg10[%dma_wait3A_157, %dma_wait3A_163] : memref<252x80xi32, #tpu.memory_space<vmem>> -> memref<1x80xi32, #tpu.memory_space<vmem>>
    %dma_wait3A_165 = tpu.memref_squeeze %dma_wait3A_164 : memref<1x80xi32, #tpu.memory_space<vmem>> -> memref<80xi32, #tpu.memory_space<vmem>>
    %dma_wait3A_166 = arith.constant 0 : i32
    %dma_wait3A_167 = arith.constant 0 : i32
    %dma_wait3A_168 = tpu.memref_slice %arg4[%dma_wait3A_166, %dma_wait3A_167] : memref<80000x64xf32, #tpu.memory_space<hbm>> -> memref<80000x64xf32, #tpu.memory_space<hbm>>
    tpu.wait_indirect_dma semaphore(%arg17 : memref<!tpu.dma_semaphore, #tpu.memory_space<semaphore_mem>>) src(%dma_wait3A_168 : memref<80000x64xf32, #tpu.memory_space<hbm>>) dst(%dma_wait3A_162 : memref<80x64xf32, #tpu.memory_space<vmem>>)
    %dma_wait3A_169 = arith.constant 250 : i32
    %dma_wait3A_170 = arith.constant 0 : i32
    %dma_wait3A_171 = tpu.memref_slice %arg11[%dma_wait3A_169, %dma_wait3A_170] : memref<251x80xi32, #tpu.memory_space<vmem>> -> memref<1x80xi32, #tpu.memory_space<vmem>>
    %dma_wait3A_172 = tpu.memref_squeeze %dma_wait3A_171 : memref<1x80xi32, #tpu.memory_space<vmem>> -> memref<80xi32, #tpu.memory_space<vmem>>
    %dma_wait3A_173 = arith.constant 0 : i32
    %dma_wait3A_174 = arith.constant 0 : i32
    %dma_wait3A_175 = tpu.memref_slice %arg15[%dma_wait3A_173, %dma_wait3A_174] : memref<10240x8xf32, #tpu.memory_space<vmem_shared>> -> memref<10240x8xf32, #tpu.memory_space<vmem_shared>>
    tpu.wait_indirect_dma semaphore(%arg19 : memref<!tpu.dma_semaphore, #tpu.memory_space<semaphore_mem>>) src(%arg13 : memref<80x8xf32, #tpu.memory_space<vmem>>) dst(%dma_wait3A_175 : memref<10240x8xf32, #tpu.memory_space<vmem_shared>>)
    %barrier3A_176 = arith.constant 0 : index
    tpu.barrier barrier_id(%barrier3A_176)
    %mul3A_177 = arith.constant 640 : i32
    %mul3A_178 = arith.muli %arg1, %mul3A_177 : i32
    %mul3A_179 = arith.constant 10240 : i32
    %mul3A_180 = arith.muli %arg0, %mul3A_179 : i32
    %mul3A_181 = arith.constant 640 : i32
    %mul3A_182 = arith.muli %arg1, %mul3A_181 : i32
    %add3A_183 = arith.addi %mul3A_180, %mul3A_182 : i32
    "tpu.region"() ({
      %run_scoped3A = tpu.sem_alloc : memref<!tpu.dma_semaphore, #tpu.memory_space<semaphore_mem>>
      %dma_start3A_191 = arith.constant 0 : i32
      %dma_start3A_192 = tpu.memref_slice %arg8[%add3A_183, %dma_start3A_191] : memref<20480x64xf32, #tpu.memory_space<hbm>> -> memref<640x64xf32, #tpu.memory_space<hbm>>
      %dma_start3A_193 = arith.constant 0 : i32
      %dma_start3A_194 = tpu.memref_slice %arg14[%mul3A_178, %dma_start3A_193] : memref<10240x64xf32, #tpu.memory_space<vmem_shared>> -> memref<640x64xf32, #tpu.memory_space<vmem_shared>>
      tpu.enqueue_dma source(%dma_start3A_194 : memref<640x64xf32, #tpu.memory_space<vmem_shared>>) target(%dma_start3A_192 : memref<640x64xf32, #tpu.memory_space<hbm>>) target_semaphore(%run_scoped3A : memref<!tpu.dma_semaphore, #tpu.memory_space<semaphore_mem>>)
      %dma_wait3A_195 = arith.constant 0 : i32
      %dma_wait3A_196 = tpu.memref_slice %arg8[%add3A_183, %dma_wait3A_195] : memref<20480x64xf32, #tpu.memory_space<hbm>> -> memref<640x64xf32, #tpu.memory_space<hbm>>
      %dma_wait3A_197 = arith.constant 0 : i32
      %dma_wait3A_198 = tpu.memref_slice %arg14[%mul3A_178, %dma_wait3A_197] : memref<10240x64xf32, #tpu.memory_space<vmem_shared>> -> memref<640x64xf32, #tpu.memory_space<vmem_shared>>
      tpu.wait_dma2 semaphore(%run_scoped3A : memref<!tpu.dma_semaphore, #tpu.memory_space<semaphore_mem>>) src(%dma_wait3A_198 : memref<640x64xf32, #tpu.memory_space<vmem_shared>>) dst(%dma_wait3A_196 : memref<640x64xf32, #tpu.memory_space<hbm>>)
      tpu.yield
    }) : () -> ()
    %mul3A_184 = arith.constant 640 : i32
    %mul3A_185 = arith.muli %arg1, %mul3A_184 : i32
    %mul3A_186 = arith.constant 10240 : i32
    %mul3A_187 = arith.muli %arg0, %mul3A_186 : i32
    %mul3A_188 = arith.constant 640 : i32
    %mul3A_189 = arith.muli %arg1, %mul3A_188 : i32
    %add3A_190 = arith.addi %mul3A_187, %mul3A_189 : i32
    "tpu.region"() ({
      %run_scoped3A = tpu.sem_alloc : memref<!tpu.dma_semaphore, #tpu.memory_space<semaphore_mem>>
      %dma_start3A_191 = arith.constant 0 : i32
      %dma_start3A_192 = tpu.memref_slice %arg9[%add3A_190, %dma_start3A_191] : memref<20480x8xf32, #tpu.memory_space<hbm>> -> memref<640x8xf32, #tpu.memory_space<hbm>>
      %dma_start3A_193 = arith.constant 0 : i32
      %dma_start3A_194 = tpu.memref_slice %arg15[%mul3A_185, %dma_start3A_193] : memref<10240x8xf32, #tpu.memory_space<vmem_shared>> -> memref<640x8xf32, #tpu.memory_space<vmem_shared>>
      tpu.enqueue_dma source(%dma_start3A_194 : memref<640x8xf32, #tpu.memory_space<vmem_shared>>) target(%dma_start3A_192 : memref<640x8xf32, #tpu.memory_space<hbm>>) target_semaphore(%run_scoped3A : memref<!tpu.dma_semaphore, #tpu.memory_space<semaphore_mem>>)
      %dma_wait3A_195 = arith.constant 0 : i32
      %dma_wait3A_196 = tpu.memref_slice %arg9[%add3A_190, %dma_wait3A_195] : memref<20480x8xf32, #tpu.memory_space<hbm>> -> memref<640x8xf32, #tpu.memory_space<hbm>>
      %dma_wait3A_197 = arith.constant 0 : i32
      %dma_wait3A_198 = tpu.memref_slice %arg15[%mul3A_185, %dma_wait3A_197] : memref<10240x8xf32, #tpu.memory_space<vmem_shared>> -> memref<640x8xf32, #tpu.memory_space<vmem_shared>>
      tpu.wait_dma2 semaphore(%run_scoped3A : memref<!tpu.dma_semaphore, #tpu.memory_space<semaphore_mem>>) src(%dma_wait3A_198 : memref<640x8xf32, #tpu.memory_space<vmem_shared>>) dst(%dma_wait3A_196 : memref<640x8xf32, #tpu.memory_space<hbm>>)
      tpu.yield
    }) : () -> ()
    return
  }
}

#map = affine_map<(d0, d1) -> (0, 0, 0)>
#map1 = affine_map<(d0, d1) -> (0, 0)>
module attributes {stable_mosaic.version = 14 : i64} {
  func.func @body(%arg0: i32, %arg1: i32, %arg2: memref<32x250x80xi32, #tpu.memory_space<hbm>>, %arg3: memref<32x250x80xi32, #tpu.memory_space<hbm>>, %arg4: memref<80000x32xf32, #tpu.memory_space<hbm>>, %arg5: memref<640x32xf32, #tpu.memory_space<hbm>>, %arg6: memref<20480x32xf32, #tpu.memory_space<hbm>>, %arg7: memref<252x80xi32, #tpu.memory_space<vmem>>, %arg8: memref<251x80xi32, #tpu.memory_space<vmem>>, %arg9: memref<2x80x32xf32, #tpu.memory_space<vmem>>, %arg10: memref<80x8xf32, #tpu.memory_space<vmem>>, %arg11: memref<10240x32xf32, #tpu.memory_space<vmem_shared>>, %arg12: memref<!tpu.dma_semaphore, #tpu.memory_space<semaphore_mem>>, %arg13: memref<!tpu.dma_semaphore, #tpu.memory_space<semaphore_mem>>) attributes {dimension_semantics = [#tpu.dimension_semantics<core_parallel>, #tpu.dimension_semantics<subcore_parallel>], iteration_bounds = array<i64: 2, 16>, scalar_prefetch = 0 : i64, scratch_operands = 7 : i64, tpu.core_type = #tpu.core_type<sc_vector_subcore>, window_params = [{transform_indices = #map}, {transform_indices = #map}, {transform_indices = #map1}, {transform_indices = #map1}, {transform_indices = #map1}]} {
    %mul3A = arith.constant 16 : i32
    %mul3A_0 = arith.muli %arg0, %mul3A : i32
    %add3A = arith.addi %mul3A_0, %arg1 : i32
    "tpu.region"() ({
      %run_scoped3A = tpu.sem_alloc : memref<!tpu.dma_semaphore, #tpu.memory_space<semaphore_mem>>
      %dma_start3A_154 = arith.constant 0 : i32
      %dma_start3A_155 = arith.constant 0 : i32
      %dma_start3A_156 = tpu.memref_slice %arg7[%dma_start3A_154, %dma_start3A_155] : memref<252x80xi32, #tpu.memory_space<vmem>> -> memref<250x80xi32, #tpu.memory_space<vmem>>
      %dma_start3A_157 = arith.constant 0 : i32
      %dma_start3A_158 = arith.constant 0 : i32
      %dma_start3A_159 = tpu.memref_slice %arg2[%add3A, %dma_start3A_157, %dma_start3A_158] : memref<32x250x80xi32, #tpu.memory_space<hbm>> -> memref<1x250x80xi32, #tpu.memory_space<hbm>>
      %dma_start3A_160 = tpu.memref_squeeze %dma_start3A_159 : memref<1x250x80xi32, #tpu.memory_space<hbm>> -> memref<250x80xi32, #tpu.memory_space<hbm>>
      %dma_start3A_161 = arith.constant 0 : i32
      %dma_start3A_162 = arith.constant 0 : i32
      %dma_start3A_163 = tpu.memref_slice %arg7[%dma_start3A_161, %dma_start3A_162] : memref<252x80xi32, #tpu.memory_space<vmem>> -> memref<250x80xi32, #tpu.memory_space<vmem>>
      %dma_start3A_164 = arith.constant 0 : i32
      %dma_start3A_165 = arith.constant 0 : i32
      %dma_start3A_166 = tpu.memref_slice %arg2[%add3A, %dma_start3A_164, %dma_start3A_165] : memref<32x250x80xi32, #tpu.memory_space<hbm>> -> memref<1x250x80xi32, #tpu.memory_space<hbm>>
      %dma_start3A_167 = tpu.memref_squeeze %dma_start3A_166 : memref<1x250x80xi32, #tpu.memory_space<hbm>> -> memref<250x80xi32, #tpu.memory_space<hbm>>
      tpu.enqueue_dma source(%dma_start3A_167 : memref<250x80xi32, #tpu.memory_space<hbm>>) target(%dma_start3A_163 : memref<250x80xi32, #tpu.memory_space<vmem>>) target_semaphore(%run_scoped3A : memref<!tpu.dma_semaphore, #tpu.memory_space<semaphore_mem>>)
      %dma_wait3A_168 = arith.constant 0 : i32
      %dma_wait3A_169 = arith.constant 0 : i32
      %dma_wait3A_170 = tpu.memref_slice %arg7[%dma_wait3A_168, %dma_wait3A_169] : memref<252x80xi32, #tpu.memory_space<vmem>> -> memref<250x80xi32, #tpu.memory_space<vmem>>
      %dma_wait3A_171 = arith.constant 0 : i32
      %dma_wait3A_172 = arith.constant 0 : i32
      %dma_wait3A_173 = tpu.memref_slice %arg2[%add3A, %dma_wait3A_171, %dma_wait3A_172] : memref<32x250x80xi32, #tpu.memory_space<hbm>> -> memref<1x250x80xi32, #tpu.memory_space<hbm>>
      %dma_wait3A_174 = tpu.memref_squeeze %dma_wait3A_173 : memref<1x250x80xi32, #tpu.memory_space<hbm>> -> memref<250x80xi32, #tpu.memory_space<hbm>>
      %dma_wait3A_175 = arith.constant 0 : i32
      %dma_wait3A_176 = arith.constant 0 : i32
      %dma_wait3A_177 = tpu.memref_slice %arg7[%dma_wait3A_175, %dma_wait3A_176] : memref<252x80xi32, #tpu.memory_space<vmem>> -> memref<250x80xi32, #tpu.memory_space<vmem>>
      %dma_wait3A_178 = arith.constant 0 : i32
      %dma_wait3A_179 = arith.constant 0 : i32
      %dma_wait3A_180 = tpu.memref_slice %arg2[%add3A, %dma_wait3A_178, %dma_wait3A_179] : memref<32x250x80xi32, #tpu.memory_space<hbm>> -> memref<1x250x80xi32, #tpu.memory_space<hbm>>
      %dma_wait3A_181 = tpu.memref_squeeze %dma_wait3A_180 : memref<1x250x80xi32, #tpu.memory_space<hbm>> -> memref<250x80xi32, #tpu.memory_space<hbm>>
      tpu.wait_dma2 semaphore(%run_scoped3A : memref<!tpu.dma_semaphore, #tpu.memory_space<semaphore_mem>>) src(%dma_wait3A_181 : memref<250x80xi32, #tpu.memory_space<hbm>>) dst(%dma_wait3A_177 : memref<250x80xi32, #tpu.memory_space<vmem>>)
      tpu.yield
    }) : () -> ()
    "tpu.region"() ({
      %run_scoped3A = tpu.sem_alloc : memref<!tpu.dma_semaphore, #tpu.memory_space<semaphore_mem>>
      %dma_start3A_154 = arith.constant 0 : i32
      %dma_start3A_155 = arith.constant 0 : i32
      %dma_start3A_156 = tpu.memref_slice %arg8[%dma_start3A_154, %dma_start3A_155] : memref<251x80xi32, #tpu.memory_space<vmem>> -> memref<250x80xi32, #tpu.memory_space<vmem>>
      %dma_start3A_157 = arith.constant 0 : i32
      %dma_start3A_158 = arith.constant 0 : i32
      %dma_start3A_159 = tpu.memref_slice %arg3[%add3A, %dma_start3A_157, %dma_start3A_158] : memref<32x250x80xi32, #tpu.memory_space<hbm>> -> memref<1x250x80xi32, #tpu.memory_space<hbm>>
      %dma_start3A_160 = tpu.memref_squeeze %dma_start3A_159 : memref<1x250x80xi32, #tpu.memory_space<hbm>> -> memref<250x80xi32, #tpu.memory_space<hbm>>
      %dma_start3A_161 = arith.constant 0 : i32
      %dma_start3A_162 = arith.constant 0 : i32
      %dma_start3A_163 = tpu.memref_slice %arg8[%dma_start3A_161, %dma_start3A_162] : memref<251x80xi32, #tpu.memory_space<vmem>> -> memref<250x80xi32, #tpu.memory_space<vmem>>
      %dma_start3A_164 = arith.constant 0 : i32
      %dma_start3A_165 = arith.constant 0 : i32
      %dma_start3A_166 = tpu.memref_slice %arg3[%add3A, %dma_start3A_164, %dma_start3A_165] : memref<32x250x80xi32, #tpu.memory_space<hbm>> -> memref<1x250x80xi32, #tpu.memory_space<hbm>>
      %dma_start3A_167 = tpu.memref_squeeze %dma_start3A_166 : memref<1x250x80xi32, #tpu.memory_space<hbm>> -> memref<250x80xi32, #tpu.memory_space<hbm>>
      tpu.enqueue_dma source(%dma_start3A_167 : memref<250x80xi32, #tpu.memory_space<hbm>>) target(%dma_start3A_163 : memref<250x80xi32, #tpu.memory_space<vmem>>) target_semaphore(%run_scoped3A : memref<!tpu.dma_semaphore, #tpu.memory_space<semaphore_mem>>)
      %dma_wait3A_168 = arith.constant 0 : i32
      %dma_wait3A_169 = arith.constant 0 : i32
      %dma_wait3A_170 = tpu.memref_slice %arg8[%dma_wait3A_168, %dma_wait3A_169] : memref<251x80xi32, #tpu.memory_space<vmem>> -> memref<250x80xi32, #tpu.memory_space<vmem>>
      %dma_wait3A_171 = arith.constant 0 : i32
      %dma_wait3A_172 = arith.constant 0 : i32
      %dma_wait3A_173 = tpu.memref_slice %arg3[%add3A, %dma_wait3A_171, %dma_wait3A_172] : memref<32x250x80xi32, #tpu.memory_space<hbm>> -> memref<1x250x80xi32, #tpu.memory_space<hbm>>
      %dma_wait3A_174 = tpu.memref_squeeze %dma_wait3A_173 : memref<1x250x80xi32, #tpu.memory_space<hbm>> -> memref<250x80xi32, #tpu.memory_space<hbm>>
      %dma_wait3A_175 = arith.constant 0 : i32
      %dma_wait3A_176 = arith.constant 0 : i32
      %dma_wait3A_177 = tpu.memref_slice %arg8[%dma_wait3A_175, %dma_wait3A_176] : memref<251x80xi32, #tpu.memory_space<vmem>> -> memref<250x80xi32, #tpu.memory_space<vmem>>
      %dma_wait3A_178 = arith.constant 0 : i32
      %dma_wait3A_179 = arith.constant 0 : i32
      %dma_wait3A_180 = tpu.memref_slice %arg3[%add3A, %dma_wait3A_178, %dma_wait3A_179] : memref<32x250x80xi32, #tpu.memory_space<hbm>> -> memref<1x250x80xi32, #tpu.memory_space<hbm>>
      %dma_wait3A_181 = tpu.memref_squeeze %dma_wait3A_180 : memref<1x250x80xi32, #tpu.memory_space<hbm>> -> memref<250x80xi32, #tpu.memory_space<hbm>>
      tpu.wait_dma2 semaphore(%run_scoped3A : memref<!tpu.dma_semaphore, #tpu.memory_space<semaphore_mem>>) src(%dma_wait3A_181 : memref<250x80xi32, #tpu.memory_space<hbm>>) dst(%dma_wait3A_177 : memref<250x80xi32, #tpu.memory_space<vmem>>)
      tpu.yield
    }) : () -> ()
    %mul3A_1 = arith.constant 640 : i32
    %mul3A_2 = arith.muli %arg1, %mul3A_1 : i32
    "tpu.region"() ({
      %run_scoped3A = tpu.sem_alloc : memref<!tpu.dma_semaphore, #tpu.memory_space<semaphore_mem>>
      %dma_start3A_154 = arith.constant 0 : i32
      %dma_start3A_155 = tpu.memref_slice %arg11[%mul3A_2, %dma_start3A_154] : memref<10240x32xf32, #tpu.memory_space<vmem_shared>> -> memref<640x32xf32, #tpu.memory_space<vmem_shared>>
      tpu.enqueue_dma source(%arg5 : memref<640x32xf32, #tpu.memory_space<hbm>>) target(%dma_start3A_155 : memref<640x32xf32, #tpu.memory_space<vmem_shared>>) target_semaphore(%run_scoped3A : memref<!tpu.dma_semaphore, #tpu.memory_space<semaphore_mem>>)
      %dma_wait3A_156 = arith.constant 0 : i32
      %dma_wait3A_157 = tpu.memref_slice %arg11[%mul3A_2, %dma_wait3A_156] : memref<10240x32xf32, #tpu.memory_space<vmem_shared>> -> memref<640x32xf32, #tpu.memory_space<vmem_shared>>
      tpu.wait_dma2 semaphore(%run_scoped3A : memref<!tpu.dma_semaphore, #tpu.memory_space<semaphore_mem>>) src(%arg5 : memref<640x32xf32, #tpu.memory_space<hbm>>) dst(%dma_wait3A_157 : memref<640x32xf32, #tpu.memory_space<vmem_shared>>)
      tpu.yield
    }) : () -> ()
    %broadcast_in_dim3A = arith.constant 0 : i32
    %broadcast_in_dim3A_3 = vector.broadcast %broadcast_in_dim3A : i32 to vector<16xi32>
    %broadcast_in_dim3A_4 = arith.constant 10239 : i32
    %broadcast_in_dim3A_5 = vector.broadcast %broadcast_in_dim3A_4 : i32 to vector<16xi32>
    %swap3A = arith.constant 250 : i32
    %swap3A_6 = arith.index_cast %swap3A : i32 to index
    %swap3A_7 = arith.constant 0 : index
    %swap3A_8 = tpu.vector_load %arg7[%swap3A_6, %swap3A_7] {strides = array<i32>} : memref<252x80xi32, #tpu.memory_space<vmem>>, vector<1x16xi32>,
    %swap3A_9 = vector.shape_cast %swap3A_8 : vector<1x16xi32> to vector<16xi32>
    %swap3A_10 = vector.shape_cast %broadcast_in_dim3A_3 : vector<16xi32> to vector<1x16xi32>
    tpu.vector_store %arg7[%swap3A_6, %swap3A_7], %swap3A_10 {strides = array<i32>} : memref<252x80xi32, #tpu.memory_space<vmem>>, vector<1x16xi32>,
    %swap3A_11 = arith.constant 250 : i32
    %swap3A_12 = arith.index_cast %swap3A_11 : i32 to index
    %swap3A_13 = arith.constant 16 : index
    %swap3A_14 = tpu.vector_load %arg7[%swap3A_12, %swap3A_13] {strides = array<i32>} : memref<252x80xi32, #tpu.memory_space<vmem>>, vector<1x16xi32>,
    %swap3A_15 = vector.shape_cast %swap3A_14 : vector<1x16xi32> to vector<16xi32>
    %swap3A_16 = vector.shape_cast %broadcast_in_dim3A_3 : vector<16xi32> to vector<1x16xi32>
    tpu.vector_store %arg7[%swap3A_12, %swap3A_13], %swap3A_16 {strides = array<i32>} : memref<252x80xi32, #tpu.memory_space<vmem>>, vector<1x16xi32>,
    %swap3A_17 = arith.constant 250 : i32
    %swap3A_18 = arith.index_cast %swap3A_17 : i32 to index
    %swap3A_19 = arith.constant 32 : index
    %swap3A_20 = tpu.vector_load %arg7[%swap3A_18, %swap3A_19] {strides = array<i32>} : memref<252x80xi32, #tpu.memory_space<vmem>>, vector<1x16xi32>,
    %swap3A_21 = vector.shape_cast %swap3A_20 : vector<1x16xi32> to vector<16xi32>
    %swap3A_22 = vector.shape_cast %broadcast_in_dim3A_3 : vector<16xi32> to vector<1x16xi32>
    tpu.vector_store %arg7[%swap3A_18, %swap3A_19], %swap3A_22 {strides = array<i32>} : memref<252x80xi32, #tpu.memory_space<vmem>>, vector<1x16xi32>,
    %swap3A_23 = arith.constant 250 : i32
    %swap3A_24 = arith.index_cast %swap3A_23 : i32 to index
    %swap3A_25 = arith.constant 48 : index
    %swap3A_26 = tpu.vector_load %arg7[%swap3A_24, %swap3A_25] {strides = array<i32>} : memref<252x80xi32, #tpu.memory_space<vmem>>, vector<1x16xi32>,
    %swap3A_27 = vector.shape_cast %swap3A_26 : vector<1x16xi32> to vector<16xi32>
    %swap3A_28 = vector.shape_cast %broadcast_in_dim3A_3 : vector<16xi32> to vector<1x16xi32>
    tpu.vector_store %arg7[%swap3A_24, %swap3A_25], %swap3A_28 {strides = array<i32>} : memref<252x80xi32, #tpu.memory_space<vmem>>, vector<1x16xi32>,
    %swap3A_29 = arith.constant 250 : i32
    %swap3A_30 = arith.index_cast %swap3A_29 : i32 to index
    %swap3A_31 = arith.constant 64 : index
    %swap3A_32 = tpu.vector_load %arg7[%swap3A_30, %swap3A_31] {strides = array<i32>} : memref<252x80xi32, #tpu.memory_space<vmem>>, vector<1x16xi32>,
    %swap3A_33 = vector.shape_cast %swap3A_32 : vector<1x16xi32> to vector<16xi32>
    %swap3A_34 = vector.shape_cast %broadcast_in_dim3A_3 : vector<16xi32> to vector<1x16xi32>
    tpu.vector_store %arg7[%swap3A_30, %swap3A_31], %swap3A_34 {strides = array<i32>} : memref<252x80xi32, #tpu.memory_space<vmem>>, vector<1x16xi32>,
    %swap3A_35 = arith.constant 251 : i32
    %swap3A_36 = arith.index_cast %swap3A_35 : i32 to index
    %swap3A_37 = arith.constant 0 : index
    %swap3A_38 = tpu.vector_load %arg7[%swap3A_36, %swap3A_37] {strides = array<i32>} : memref<252x80xi32, #tpu.memory_space<vmem>>, vector<1x16xi32>,
    %swap3A_39 = vector.shape_cast %swap3A_38 : vector<1x16xi32> to vector<16xi32>
    %swap3A_40 = vector.shape_cast %broadcast_in_dim3A_3 : vector<16xi32> to vector<1x16xi32>
    tpu.vector_store %arg7[%swap3A_36, %swap3A_37], %swap3A_40 {strides = array<i32>} : memref<252x80xi32, #tpu.memory_space<vmem>>, vector<1x16xi32>,
    %swap3A_41 = arith.constant 251 : i32
    %swap3A_42 = arith.index_cast %swap3A_41 : i32 to index
    %swap3A_43 = arith.constant 16 : index
    %swap3A_44 = tpu.vector_load %arg7[%swap3A_42, %swap3A_43] {strides = array<i32>} : memref<252x80xi32, #tpu.memory_space<vmem>>, vector<1x16xi32>,
    %swap3A_45 = vector.shape_cast %swap3A_44 : vector<1x16xi32> to vector<16xi32>
    %swap3A_46 = vector.shape_cast %broadcast_in_dim3A_3 : vector<16xi32> to vector<1x16xi32>
    tpu.vector_store %arg7[%swap3A_42, %swap3A_43], %swap3A_46 {strides = array<i32>} : memref<252x80xi32, #tpu.memory_space<vmem>>, vector<1x16xi32>,
    %swap3A_47 = arith.constant 251 : i32
    %swap3A_48 = arith.index_cast %swap3A_47 : i32 to index
    %swap3A_49 = arith.constant 32 : index
    %swap3A_50 = tpu.vector_load %arg7[%swap3A_48, %swap3A_49] {strides = array<i32>} : memref<252x80xi32, #tpu.memory_space<vmem>>, vector<1x16xi32>,
    %swap3A_51 = vector.shape_cast %swap3A_50 : vector<1x16xi32> to vector<16xi32>
    %swap3A_52 = vector.shape_cast %broadcast_in_dim3A_3 : vector<16xi32> to vector<1x16xi32>
    tpu.vector_store %arg7[%swap3A_48, %swap3A_49], %swap3A_52 {strides = array<i32>} : memref<252x80xi32, #tpu.memory_space<vmem>>, vector<1x16xi32>,
    %swap3A_53 = arith.constant 251 : i32
    %swap3A_54 = arith.index_cast %swap3A_53 : i32 to index
    %swap3A_55 = arith.constant 48 : index
    %swap3A_56 = tpu.vector_load %arg7[%swap3A_54, %swap3A_55] {strides = array<i32>} : memref<252x80xi32, #tpu.memory_space<vmem>>, vector<1x16xi32>,
    %swap3A_57 = vector.shape_cast %swap3A_56 : vector<1x16xi32> to vector<16xi32>
    %swap3A_58 = vector.shape_cast %broadcast_in_dim3A_3 : vector<16xi32> to vector<1x16xi32>
    tpu.vector_store %arg7[%swap3A_54, %swap3A_55], %swap3A_58 {strides = array<i32>} : memref<252x80xi32, #tpu.memory_space<vmem>>, vector<1x16xi32>,
    %swap3A_59 = arith.constant 251 : i32
    %swap3A_60 = arith.index_cast %swap3A_59 : i32 to index
    %swap3A_61 = arith.constant 64 : index
    %swap3A_62 = tpu.vector_load %arg7[%swap3A_60, %swap3A_61] {strides = array<i32>} : memref<252x80xi32, #tpu.memory_space<vmem>>, vector<1x16xi32>,
    %swap3A_63 = vector.shape_cast %swap3A_62 : vector<1x16xi32> to vector<16xi32>
    %swap3A_64 = vector.shape_cast %broadcast_in_dim3A_3 : vector<16xi32> to vector<1x16xi32>
    tpu.vector_store %arg7[%swap3A_60, %swap3A_61], %swap3A_64 {strides = array<i32>} : memref<252x80xi32, #tpu.memory_space<vmem>>, vector<1x16xi32>,
    %swap3A_65 = arith.constant 250 : i32
    %swap3A_66 = arith.index_cast %swap3A_65 : i32 to index
    %swap3A_67 = arith.constant 0 : index
    %swap3A_68 = tpu.vector_load %arg8[%swap3A_66, %swap3A_67] {strides = array<i32>} : memref<251x80xi32, #tpu.memory_space<vmem>>, vector<1x16xi32>,
    %swap3A_69 = vector.shape_cast %swap3A_68 : vector<1x16xi32> to vector<16xi32>
    %swap3A_70 = vector.shape_cast %broadcast_in_dim3A_5 : vector<16xi32> to vector<1x16xi32>
    tpu.vector_store %arg8[%swap3A_66, %swap3A_67], %swap3A_70 {strides = array<i32>} : memref<251x80xi32, #tpu.memory_space<vmem>>, vector<1x16xi32>,
    %swap3A_71 = arith.constant 250 : i32
    %swap3A_72 = arith.index_cast %swap3A_71 : i32 to index
    %swap3A_73 = arith.constant 16 : index
    %swap3A_74 = tpu.vector_load %arg8[%swap3A_72, %swap3A_73] {strides = array<i32>} : memref<251x80xi32, #tpu.memory_space<vmem>>, vector<1x16xi32>,
    %swap3A_75 = vector.shape_cast %swap3A_74 : vector<1x16xi32> to vector<16xi32>
    %swap3A_76 = vector.shape_cast %broadcast_in_dim3A_5 : vector<16xi32> to vector<1x16xi32>
    tpu.vector_store %arg8[%swap3A_72, %swap3A_73], %swap3A_76 {strides = array<i32>} : memref<251x80xi32, #tpu.memory_space<vmem>>, vector<1x16xi32>,
    %swap3A_77 = arith.constant 250 : i32
    %swap3A_78 = arith.index_cast %swap3A_77 : i32 to index
    %swap3A_79 = arith.constant 32 : index
    %swap3A_80 = tpu.vector_load %arg8[%swap3A_78, %swap3A_79] {strides = array<i32>} : memref<251x80xi32, #tpu.memory_space<vmem>>, vector<1x16xi32>,
    %swap3A_81 = vector.shape_cast %swap3A_80 : vector<1x16xi32> to vector<16xi32>
    %swap3A_82 = vector.shape_cast %broadcast_in_dim3A_5 : vector<16xi32> to vector<1x16xi32>
    tpu.vector_store %arg8[%swap3A_78, %swap3A_79], %swap3A_82 {strides = array<i32>} : memref<251x80xi32, #tpu.memory_space<vmem>>, vector<1x16xi32>,
    %swap3A_83 = arith.constant 250 : i32
    %swap3A_84 = arith.index_cast %swap3A_83 : i32 to index
    %swap3A_85 = arith.constant 48 : index
    %swap3A_86 = tpu.vector_load %arg8[%swap3A_84, %swap3A_85] {strides = array<i32>} : memref<251x80xi32, #tpu.memory_space<vmem>>, vector<1x16xi32>,
    %swap3A_87 = vector.shape_cast %swap3A_86 : vector<1x16xi32> to vector<16xi32>
    %swap3A_88 = vector.shape_cast %broadcast_in_dim3A_5 : vector<16xi32> to vector<1x16xi32>
    tpu.vector_store %arg8[%swap3A_84, %swap3A_85], %swap3A_88 {strides = array<i32>} : memref<251x80xi32, #tpu.memory_space<vmem>>, vector<1x16xi32>,
    %swap3A_89 = arith.constant 250 : i32
    %swap3A_90 = arith.index_cast %swap3A_89 : i32 to index
    %swap3A_91 = arith.constant 64 : index
    %swap3A_92 = tpu.vector_load %arg8[%swap3A_90, %swap3A_91] {strides = array<i32>} : memref<251x80xi32, #tpu.memory_space<vmem>>, vector<1x16xi32>,
    %swap3A_93 = vector.shape_cast %swap3A_92 : vector<1x16xi32> to vector<16xi32>
    %swap3A_94 = vector.shape_cast %broadcast_in_dim3A_5 : vector<16xi32> to vector<1x16xi32>
    tpu.vector_store %arg8[%swap3A_90, %swap3A_91], %swap3A_94 {strides = array<i32>} : memref<251x80xi32, #tpu.memory_space<vmem>>, vector<1x16xi32>,
    %barrier3A = arith.constant 0 : index
    tpu.barrier barrier_id(%barrier3A)
    %dma_start3A = arith.constant 0 : i32
    %dma_start3A_95 = arith.constant 0 : i32
    %dma_start3A_96 = arith.constant 0 : i32
    %dma_start3A_97 = arith.constant 0 : i32
    %dma_start3A_98 = tpu.memref_slice %arg9[%dma_start3A_95, %dma_start3A_96, %dma_start3A_97] : memref<2x80x32xf32, #tpu.memory_space<vmem>> -> memref<1x80x32xf32, #tpu.memory_space<vmem>>
    %dma_start3A_99 = tpu.memref_squeeze %dma_start3A_98 : memref<1x80x32xf32, #tpu.memory_space<vmem>> -> memref<80x32xf32, #tpu.memory_space<vmem>>
    %dma_start3A_100 = arith.constant 0 : i32
    %dma_start3A_101 = tpu.memref_slice %arg7[%dma_start3A, %dma_start3A_100] : memref<252x80xi32, #tpu.memory_space<vmem>> -> memref<1x80xi32, #tpu.memory_space<vmem>>
    %dma_start3A_102 = tpu.memref_squeeze %dma_start3A_101 : memref<1x80xi32, #tpu.memory_space<vmem>> -> memref<80xi32, #tpu.memory_space<vmem>>
    %dma_start3A_103 = arith.constant 0 : i32
    %dma_start3A_104 = arith.constant 0 : i32
    %dma_start3A_105 = tpu.memref_slice %arg4[%dma_start3A_103, %dma_start3A_104] : memref<80000x32xf32, #tpu.memory_space<hbm>> -> memref<80000x32xf32, #tpu.memory_space<hbm>>
    tpu.enqueue_indirect_dma source(%dma_start3A_105 : memref<80000x32xf32, #tpu.memory_space<hbm>>) target(%dma_start3A_99 : memref<80x32xf32, #tpu.memory_space<vmem>>) offsets(%dma_start3A_102 : memref<80xi32, #tpu.memory_space<vmem>>) semaphore(%arg12 : memref<!tpu.dma_semaphore, #tpu.memory_space<semaphore_mem>>)
    %dma_start3A_106 = arith.constant 1 : i32
    %dma_start3A_107 = arith.constant 1 : i32
    %dma_start3A_108 = arith.constant 0 : i32
    %dma_start3A_109 = arith.constant 0 : i32
    %dma_start3A_110 = tpu.memref_slice %arg9[%dma_start3A_107, %dma_start3A_108, %dma_start3A_109] : memref<2x80x32xf32, #tpu.memory_space<vmem>> -> memref<1x80x32xf32, #tpu.memory_space<vmem>>
    %dma_start3A_111 = tpu.memref_squeeze %dma_start3A_110 : memref<1x80x32xf32, #tpu.memory_space<vmem>> -> memref<80x32xf32, #tpu.memory_space<vmem>>
    %dma_start3A_112 = arith.constant 0 : i32
    %dma_start3A_113 = tpu.memref_slice %arg7[%dma_start3A_106, %dma_start3A_112] : memref<252x80xi32, #tpu.memory_space<vmem>> -> memref<1x80xi32, #tpu.memory_space<vmem>>
    %dma_start3A_114 = tpu.memref_squeeze %dma_start3A_113 : memref<1x80xi32, #tpu.memory_space<vmem>> -> memref<80xi32, #tpu.memory_space<vmem>>
    %dma_start3A_115 = arith.constant 0 : i32
    %dma_start3A_116 = arith.constant 0 : i32
    %dma_start3A_117 = tpu.memref_slice %arg4[%dma_start3A_115, %dma_start3A_116] : memref<80000x32xf32, #tpu.memory_space<hbm>> -> memref<80000x32xf32, #tpu.memory_space<hbm>>
    tpu.enqueue_indirect_dma source(%dma_start3A_117 : memref<80000x32xf32, #tpu.memory_space<hbm>>) target(%dma_start3A_111 : memref<80x32xf32, #tpu.memory_space<vmem>>) offsets(%dma_start3A_114 : memref<80xi32, #tpu.memory_space<vmem>>) semaphore(%arg13 : memref<!tpu.dma_semaphore, #tpu.memory_space<semaphore_mem>>)
    %scan3A = arith.constant 0 : i32
    %scan3A_118 = arith.constant 0 : i32
    %scan3A_119 = arith.constant 125 : i32
    %scan3A_120 = arith.addi %scan3A_118, %scan3A_119 : i32
    %scan3A_121 = arith.constant 1 : i32
    scf.for %scan3A_154 = %scan3A_118 to %scan3A_120 step %scan3A_121  : i32 {
      %mul3A_155 = arith.constant 2 : i32
      %mul3A_156 = arith.muli %scan3A_154, %mul3A_155 : i32
      %add3A_157 = arith.constant 0 : i32
      %add3A_158 = arith.addi %mul3A_156, %add3A_157 : i32
      %dma_wait3A_159 = arith.constant 0 : i32
      %dma_wait3A_160 = arith.constant 0 : i32
      %dma_wait3A_161 = arith.constant 0 : i32
      %dma_wait3A_162 = tpu.memref_slice %arg9[%dma_wait3A_159, %dma_wait3A_160, %dma_wait3A_161] : memref<2x80x32xf32, #tpu.memory_space<vmem>> -> memref<1x80x32xf32, #tpu.memory_space<vmem>>
      %dma_wait3A_163 = tpu.memref_squeeze %dma_wait3A_162 : memref<1x80x32xf32, #tpu.memory_space<vmem>> -> memref<80x32xf32, #tpu.memory_space<vmem>>
      %dma_wait3A_164 = arith.constant 0 : i32
      %dma_wait3A_165 = tpu.memref_slice %arg7[%add3A_158, %dma_wait3A_164] : memref<252x80xi32, #tpu.memory_space<vmem>> -> memref<1x80xi32, #tpu.memory_space<vmem>>
      %dma_wait3A_166 = tpu.memref_squeeze %dma_wait3A_165 : memref<1x80xi32, #tpu.memory_space<vmem>> -> memref<80xi32, #tpu.memory_space<vmem>>
      %dma_wait3A_167 = arith.constant 0 : i32
      %dma_wait3A_168 = arith.constant 0 : i32
      %dma_wait3A_169 = tpu.memref_slice %arg4[%dma_wait3A_167, %dma_wait3A_168] : memref<80000x32xf32, #tpu.memory_space<hbm>> -> memref<80000x32xf32, #tpu.memory_space<hbm>>
      tpu.wait_indirect_dma semaphore(%arg12 : memref<!tpu.dma_semaphore, #tpu.memory_space<semaphore_mem>>) src(%dma_wait3A_169 : memref<80000x32xf32, #tpu.memory_space<hbm>>) dst(%dma_wait3A_163 : memref<80x32xf32, #tpu.memory_space<vmem>>)
      %run_scoped3A = arith.constant 0 : i32
      "tpu.region"() ({
        %run_scoped3A_210 = tpu.sem_alloc : memref<!tpu.dma_semaphore, #tpu.memory_space<semaphore_mem>>
        %dma_start3A_211 = arith.constant 0 : i32
        %dma_start3A_212 = arith.constant 0 : i32
        %dma_start3A_213 = tpu.memref_slice %arg9[%run_scoped3A, %dma_start3A_211, %dma_start3A_212] : memref<2x80x32xf32, #tpu.memory_space<vmem>> -> memref<1x80x32xf32, #tpu.memory_space<vmem>>
        %dma_start3A_214 = tpu.memref_squeeze %dma_start3A_213 : memref<1x80x32xf32, #tpu.memory_space<vmem>> -> memref<80x32xf32, #tpu.memory_space<vmem>>
        %dma_start3A_215 = arith.constant 0 : i32
        %dma_start3A_216 = tpu.memref_slice %arg8[%add3A_158, %dma_start3A_215] : memref<251x80xi32, #tpu.memory_space<vmem>> -> memref<1x80xi32, #tpu.memory_space<vmem>>
        %dma_start3A_217 = tpu.memref_squeeze %dma_start3A_216 : memref<1x80xi32, #tpu.memory_space<vmem>> -> memref<80xi32, #tpu.memory_space<vmem>>
        %dma_start3A_218 = arith.constant 0 : i32
        %dma_start3A_219 = arith.constant 0 : i32
        %dma_start3A_220 = tpu.memref_slice %arg11[%dma_start3A_218, %dma_start3A_219] : memref<10240x32xf32, #tpu.memory_space<vmem_shared>> -> memref<10240x32xf32, #tpu.memory_space<vmem_shared>>
        tpu.enqueue_indirect_dma source(%dma_start3A_214 : memref<80x32xf32, #tpu.memory_space<vmem>>) target(%dma_start3A_220 : memref<10240x32xf32, #tpu.memory_space<vmem_shared>>) offsets(%dma_start3A_217 : memref<80xi32, #tpu.memory_space<vmem>>) semaphore(%run_scoped3A_210 : memref<!tpu.dma_semaphore, #tpu.memory_space<semaphore_mem>>) {add = true}
        %dma_wait3A_221 = arith.constant 0 : i32
        %dma_wait3A_222 = arith.constant 0 : i32
        %dma_wait3A_223 = tpu.memref_slice %arg9[%run_scoped3A, %dma_wait3A_221, %dma_wait3A_222] : memref<2x80x32xf32, #tpu.memory_space<vmem>> -> memref<1x80x32xf32, #tpu.memory_space<vmem>>
        %dma_wait3A_224 = tpu.memref_squeeze %dma_wait3A_223 : memref<1x80x32xf32, #tpu.memory_space<vmem>> -> memref<80x32xf32, #tpu.memory_space<vmem>>
        %dma_wait3A_225 = arith.constant 0 : i32
        %dma_wait3A_226 = tpu.memref_slice %arg8[%add3A_158, %dma_wait3A_225] : memref<251x80xi32, #tpu.memory_space<vmem>> -> memref<1x80xi32, #tpu.memory_space<vmem>>
        %dma_wait3A_227 = tpu.memref_squeeze %dma_wait3A_226 : memref<1x80xi32, #tpu.memory_space<vmem>> -> memref<80xi32, #tpu.memory_space<vmem>>
        %dma_wait3A_228 = arith.constant 0 : i32
        %dma_wait3A_229 = arith.constant 0 : i32
        %dma_wait3A_230 = tpu.memref_slice %arg11[%dma_wait3A_228, %dma_wait3A_229] : memref<10240x32xf32, #tpu.memory_space<vmem_shared>> -> memref<10240x32xf32, #tpu.memory_space<vmem_shared>>
        tpu.wait_indirect_dma semaphore(%run_scoped3A_210 : memref<!tpu.dma_semaphore, #tpu.memory_space<semaphore_mem>>) src(%dma_wait3A_224 : memref<80x32xf32, #tpu.memory_space<vmem>>) dst(%dma_wait3A_230 : memref<10240x32xf32, #tpu.memory_space<vmem_shared>>)
        tpu.yield
      }) : () -> ()
      %add3A_170 = arith.constant 2 : i32
      %add3A_171 = arith.addi %add3A_158, %add3A_170 : i32
      %dma_start3A_172 = arith.constant 0 : i32
      %dma_start3A_173 = arith.constant 0 : i32
      %dma_start3A_174 = arith.constant 0 : i32
      %dma_start3A_175 = tpu.memref_slice %arg9[%dma_start3A_172, %dma_start3A_173, %dma_start3A_174] : memref<2x80x32xf32, #tpu.memory_space<vmem>> -> memref<1x80x32xf32, #tpu.memory_space<vmem>>
      %dma_start3A_176 = tpu.memref_squeeze %dma_start3A_175 : memref<1x80x32xf32, #tpu.memory_space<vmem>> -> memref<80x32xf32, #tpu.memory_space<vmem>>
      %dma_start3A_177 = arith.constant 0 : i32
      %dma_start3A_178 = tpu.memref_slice %arg7[%add3A_171, %dma_start3A_177] : memref<252x80xi32, #tpu.memory_space<vmem>> -> memref<1x80xi32, #tpu.memory_space<vmem>>
      %dma_start3A_179 = tpu.memref_squeeze %dma_start3A_178 : memref<1x80xi32, #tpu.memory_space<vmem>> -> memref<80xi32, #tpu.memory_space<vmem>>
      %dma_start3A_180 = arith.constant 0 : i32
      %dma_start3A_181 = arith.constant 0 : i32
      %dma_start3A_182 = tpu.memref_slice %arg4[%dma_start3A_180, %dma_start3A_181] : memref<80000x32xf32, #tpu.memory_space<hbm>> -> memref<80000x32xf32, #tpu.memory_space<hbm>>
      tpu.enqueue_indirect_dma source(%dma_start3A_182 : memref<80000x32xf32, #tpu.memory_space<hbm>>) target(%dma_start3A_176 : memref<80x32xf32, #tpu.memory_space<vmem>>) offsets(%dma_start3A_179 : memref<80xi32, #tpu.memory_space<vmem>>) semaphore(%arg12 : memref<!tpu.dma_semaphore, #tpu.memory_space<semaphore_mem>>)
      %add3A_183 = arith.constant 1 : i32
      %add3A_184 = arith.addi %mul3A_156, %add3A_183 : i32
      %dma_wait3A_185 = arith.constant 1 : i32
      %dma_wait3A_186 = arith.constant 0 : i32
      %dma_wait3A_187 = arith.constant 0 : i32
      %dma_wait3A_188 = tpu.memref_slice %arg9[%dma_wait3A_185, %dma_wait3A_186, %dma_wait3A_187] : memref<2x80x32xf32, #tpu.memory_space<vmem>> -> memref<1x80x32xf32, #tpu.memory_space<vmem>>
      %dma_wait3A_189 = tpu.memref_squeeze %dma_wait3A_188 : memref<1x80x32xf32, #tpu.memory_space<vmem>> -> memref<80x32xf32, #tpu.memory_space<vmem>>
      %dma_wait3A_190 = arith.constant 0 : i32
      %dma_wait3A_191 = tpu.memref_slice %arg7[%add3A_184, %dma_wait3A_190] : memref<252x80xi32, #tpu.memory_space<vmem>> -> memref<1x80xi32, #tpu.memory_space<vmem>>
      %dma_wait3A_192 = tpu.memref_squeeze %dma_wait3A_191 : memref<1x80xi32, #tpu.memory_space<vmem>> -> memref<80xi32, #tpu.memory_space<vmem>>
      %dma_wait3A_193 = arith.constant 0 : i32
      %dma_wait3A_194 = arith.constant 0 : i32
      %dma_wait3A_195 = tpu.memref_slice %arg4[%dma_wait3A_193, %dma_wait3A_194] : memref<80000x32xf32, #tpu.memory_space<hbm>> -> memref<80000x32xf32, #tpu.memory_space<hbm>>
      tpu.wait_indirect_dma semaphore(%arg13 : memref<!tpu.dma_semaphore, #tpu.memory_space<semaphore_mem>>) src(%dma_wait3A_195 : memref<80000x32xf32, #tpu.memory_space<hbm>>) dst(%dma_wait3A_189 : memref<80x32xf32, #tpu.memory_space<vmem>>)
      %run_scoped3A_196 = arith.constant 1 : i32
      "tpu.region"() ({
        %run_scoped3A_210 = tpu.sem_alloc : memref<!tpu.dma_semaphore, #tpu.memory_space<semaphore_mem>>
        %dma_start3A_211 = arith.constant 0 : i32
        %dma_start3A_212 = arith.constant 0 : i32
        %dma_start3A_213 = tpu.memref_slice %arg9[%run_scoped3A_196, %dma_start3A_211, %dma_start3A_212] : memref<2x80x32xf32, #tpu.memory_space<vmem>> -> memref<1x80x32xf32, #tpu.memory_space<vmem>>
        %dma_start3A_214 = tpu.memref_squeeze %dma_start3A_213 : memref<1x80x32xf32, #tpu.memory_space<vmem>> -> memref<80x32xf32, #tpu.memory_space<vmem>>
        %dma_start3A_215 = arith.constant 0 : i32
        %dma_start3A_216 = tpu.memref_slice %arg8[%add3A_184, %dma_start3A_215] : memref<251x80xi32, #tpu.memory_space<vmem>> -> memref<1x80xi32, #tpu.memory_space<vmem>>
        %dma_start3A_217 = tpu.memref_squeeze %dma_start3A_216 : memref<1x80xi32, #tpu.memory_space<vmem>> -> memref<80xi32, #tpu.memory_space<vmem>>
        %dma_start3A_218 = arith.constant 0 : i32
        %dma_start3A_219 = arith.constant 0 : i32
        %dma_start3A_220 = tpu.memref_slice %arg11[%dma_start3A_218, %dma_start3A_219] : memref<10240x32xf32, #tpu.memory_space<vmem_shared>> -> memref<10240x32xf32, #tpu.memory_space<vmem_shared>>
        tpu.enqueue_indirect_dma source(%dma_start3A_214 : memref<80x32xf32, #tpu.memory_space<vmem>>) target(%dma_start3A_220 : memref<10240x32xf32, #tpu.memory_space<vmem_shared>>) offsets(%dma_start3A_217 : memref<80xi32, #tpu.memory_space<vmem>>) semaphore(%run_scoped3A_210 : memref<!tpu.dma_semaphore, #tpu.memory_space<semaphore_mem>>) {add = true}
        %dma_wait3A_221 = arith.constant 0 : i32
        %dma_wait3A_222 = arith.constant 0 : i32
        %dma_wait3A_223 = tpu.memref_slice %arg9[%run_scoped3A_196, %dma_wait3A_221, %dma_wait3A_222] : memref<2x80x32xf32, #tpu.memory_space<vmem>> -> memref<1x80x32xf32, #tpu.memory_space<vmem>>
        %dma_wait3A_224 = tpu.memref_squeeze %dma_wait3A_223 : memref<1x80x32xf32, #tpu.memory_space<vmem>> -> memref<80x32xf32, #tpu.memory_space<vmem>>
        %dma_wait3A_225 = arith.constant 0 : i32
        %dma_wait3A_226 = tpu.memref_slice %arg8[%add3A_184, %dma_wait3A_225] : memref<251x80xi32, #tpu.memory_space<vmem>> -> memref<1x80xi32, #tpu.memory_space<vmem>>
        %dma_wait3A_227 = tpu.memref_squeeze %dma_wait3A_226 : memref<1x80xi32, #tpu.memory_space<vmem>> -> memref<80xi32, #tpu.memory_space<vmem>>
        %dma_wait3A_228 = arith.constant 0 : i32
        %dma_wait3A_229 = arith.constant 0 : i32
        %dma_wait3A_230 = tpu.memref_slice %arg11[%dma_wait3A_228, %dma_wait3A_229] : memref<10240x32xf32, #tpu.memory_space<vmem_shared>> -> memref<10240x32xf32, #tpu.memory_space<vmem_shared>>
        tpu.wait_indirect_dma semaphore(%run_scoped3A_210 : memref<!tpu.dma_semaphore, #tpu.memory_space<semaphore_mem>>) src(%dma_wait3A_224 : memref<80x32xf32, #tpu.memory_space<vmem>>) dst(%dma_wait3A_230 : memref<10240x32xf32, #tpu.memory_space<vmem_shared>>)
        tpu.yield
      }) : () -> ()
      %add3A_197 = arith.constant 2 : i32
      %add3A_198 = arith.addi %add3A_184, %add3A_197 : i32
      %dma_start3A_199 = arith.constant 1 : i32
      %dma_start3A_200 = arith.constant 0 : i32
      %dma_start3A_201 = arith.constant 0 : i32
      %dma_start3A_202 = tpu.memref_slice %arg9[%dma_start3A_199, %dma_start3A_200, %dma_start3A_201] : memref<2x80x32xf32, #tpu.memory_space<vmem>> -> memref<1x80x32xf32, #tpu.memory_space<vmem>>
      %dma_start3A_203 = tpu.memref_squeeze %dma_start3A_202 : memref<1x80x32xf32, #tpu.memory_space<vmem>> -> memref<80x32xf32, #tpu.memory_space<vmem>>
      %dma_start3A_204 = arith.constant 0 : i32
      %dma_start3A_205 = tpu.memref_slice %arg7[%add3A_198, %dma_start3A_204] : memref<252x80xi32, #tpu.memory_space<vmem>> -> memref<1x80xi32, #tpu.memory_space<vmem>>
      %dma_start3A_206 = tpu.memref_squeeze %dma_start3A_205 : memref<1x80xi32, #tpu.memory_space<vmem>> -> memref<80xi32, #tpu.memory_space<vmem>>
      %dma_start3A_207 = arith.constant 0 : i32
      %dma_start3A_208 = arith.constant 0 : i32
      %dma_start3A_209 = tpu.memref_slice %arg4[%dma_start3A_207, %dma_start3A_208] : memref<80000x32xf32, #tpu.memory_space<hbm>> -> memref<80000x32xf32, #tpu.memory_space<hbm>>
      tpu.enqueue_indirect_dma source(%dma_start3A_209 : memref<80000x32xf32, #tpu.memory_space<hbm>>) target(%dma_start3A_203 : memref<80x32xf32, #tpu.memory_space<vmem>>) offsets(%dma_start3A_206 : memref<80xi32, #tpu.memory_space<vmem>>) semaphore(%arg13 : memref<!tpu.dma_semaphore, #tpu.memory_space<semaphore_mem>>)
    }
    %scan3A_122 = arith.constant 125 : i32
    %dma_wait3A = arith.constant 250 : i32
    %dma_wait3A_123 = arith.constant 0 : i32
    %dma_wait3A_124 = arith.constant 0 : i32
    %dma_wait3A_125 = arith.constant 0 : i32
    %dma_wait3A_126 = tpu.memref_slice %arg9[%dma_wait3A_123, %dma_wait3A_124, %dma_wait3A_125] : memref<2x80x32xf32, #tpu.memory_space<vmem>> -> memref<1x80x32xf32, #tpu.memory_space<vmem>>
    %dma_wait3A_127 = tpu.memref_squeeze %dma_wait3A_126 : memref<1x80x32xf32, #tpu.memory_space<vmem>> -> memref<80x32xf32, #tpu.memory_space<vmem>>
    %dma_wait3A_128 = arith.constant 0 : i32
    %dma_wait3A_129 = tpu.memref_slice %arg7[%dma_wait3A, %dma_wait3A_128] : memref<252x80xi32, #tpu.memory_space<vmem>> -> memref<1x80xi32, #tpu.memory_space<vmem>>
    %dma_wait3A_130 = tpu.memref_squeeze %dma_wait3A_129 : memref<1x80xi32, #tpu.memory_space<vmem>> -> memref<80xi32, #tpu.memory_space<vmem>>
    %dma_wait3A_131 = arith.constant 0 : i32
    %dma_wait3A_132 = arith.constant 0 : i32
    %dma_wait3A_133 = tpu.memref_slice %arg4[%dma_wait3A_131, %dma_wait3A_132] : memref<80000x32xf32, #tpu.memory_space<hbm>> -> memref<80000x32xf32, #tpu.memory_space<hbm>>
    tpu.wait_indirect_dma semaphore(%arg12 : memref<!tpu.dma_semaphore, #tpu.memory_space<semaphore_mem>>) src(%dma_wait3A_133 : memref<80000x32xf32, #tpu.memory_space<hbm>>) dst(%dma_wait3A_127 : memref<80x32xf32, #tpu.memory_space<vmem>>)
    %dma_wait3A_134 = arith.constant 250 : i32
    %dma_wait3A_135 = arith.constant 1 : i32
    %dma_wait3A_136 = arith.constant 0 : i32
    %dma_wait3A_137 = arith.constant 0 : i32
    %dma_wait3A_138 = tpu.memref_slice %arg9[%dma_wait3A_135, %dma_wait3A_136, %dma_wait3A_137] : memref<2x80x32xf32, #tpu.memory_space<vmem>> -> memref<1x80x32xf32, #tpu.memory_space<vmem>>
    %dma_wait3A_139 = tpu.memref_squeeze %dma_wait3A_138 : memref<1x80x32xf32, #tpu.memory_space<vmem>> -> memref<80x32xf32, #tpu.memory_space<vmem>>
    %dma_wait3A_140 = arith.constant 0 : i32
    %dma_wait3A_141 = tpu.memref_slice %arg7[%dma_wait3A_134, %dma_wait3A_140] : memref<252x80xi32, #tpu.memory_space<vmem>> -> memref<1x80xi32, #tpu.memory_space<vmem>>
    %dma_wait3A_142 = tpu.memref_squeeze %dma_wait3A_141 : memref<1x80xi32, #tpu.memory_space<vmem>> -> memref<80xi32, #tpu.memory_space<vmem>>
    %dma_wait3A_143 = arith.constant 0 : i32
    %dma_wait3A_144 = arith.constant 0 : i32
    %dma_wait3A_145 = tpu.memref_slice %arg4[%dma_wait3A_143, %dma_wait3A_144] : memref<80000x32xf32, #tpu.memory_space<hbm>> -> memref<80000x32xf32, #tpu.memory_space<hbm>>
    tpu.wait_indirect_dma semaphore(%arg13 : memref<!tpu.dma_semaphore, #tpu.memory_space<semaphore_mem>>) src(%dma_wait3A_145 : memref<80000x32xf32, #tpu.memory_space<hbm>>) dst(%dma_wait3A_139 : memref<80x32xf32, #tpu.memory_space<vmem>>)
    %barrier3A_146 = arith.constant 0 : index
    tpu.barrier barrier_id(%barrier3A_146)
    %mul3A_147 = arith.constant 640 : i32
    %mul3A_148 = arith.muli %arg1, %mul3A_147 : i32
    %mul3A_149 = arith.constant 10240 : i32
    %mul3A_150 = arith.muli %arg0, %mul3A_149 : i32
    %mul3A_151 = arith.constant 640 : i32
    %mul3A_152 = arith.muli %arg1, %mul3A_151 : i32
    %add3A_153 = arith.addi %mul3A_150, %mul3A_152 : i32
    "tpu.region"() ({
      %run_scoped3A = tpu.sem_alloc : memref<!tpu.dma_semaphore, #tpu.memory_space<semaphore_mem>>
      %dma_start3A_154 = arith.constant 0 : i32
      %dma_start3A_155 = tpu.memref_slice %arg6[%add3A_153, %dma_start3A_154] : memref<20480x32xf32, #tpu.memory_space<hbm>> -> memref<640x32xf32, #tpu.memory_space<hbm>>
      %dma_start3A_156 = arith.constant 0 : i32
      %dma_start3A_157 = tpu.memref_slice %arg11[%mul3A_148, %dma_start3A_156] : memref<10240x32xf32, #tpu.memory_space<vmem_shared>> -> memref<640x32xf32, #tpu.memory_space<vmem_shared>>
      tpu.enqueue_dma source(%dma_start3A_157 : memref<640x32xf32, #tpu.memory_space<vmem_shared>>) target(%dma_start3A_155 : memref<640x32xf32, #tpu.memory_space<hbm>>) target_semaphore(%run_scoped3A : memref<!tpu.dma_semaphore, #tpu.memory_space<semaphore_mem>>)
      %dma_wait3A_158 = arith.constant 0 : i32
      %dma_wait3A_159 = tpu.memref_slice %arg6[%add3A_153, %dma_wait3A_158] : memref<20480x32xf32, #tpu.memory_space<hbm>> -> memref<640x32xf32, #tpu.memory_space<hbm>>
      %dma_wait3A_160 = arith.constant 0 : i32
      %dma_wait3A_161 = tpu.memref_slice %arg11[%mul3A_148, %dma_wait3A_160] : memref<10240x32xf32, #tpu.memory_space<vmem_shared>> -> memref<640x32xf32, #tpu.memory_space<vmem_shared>>
      tpu.wait_dma2 semaphore(%run_scoped3A : memref<!tpu.dma_semaphore, #tpu.memory_space<semaphore_mem>>) src(%dma_wait3A_161 : memref<640x32xf32, #tpu.memory_space<vmem_shared>>) dst(%dma_wait3A_159 : memref<640x32xf32, #tpu.memory_space<hbm>>)
      tpu.yield
    }) : () -> ()
    return
  }
}

module attributes {stable_mosaic.version = 14 : i64} {
  func.func @_w1_body(%arg0: i32, %arg1: memref<8x30xf32, #tpu.memory_space<vmem>>, %arg2: memref<30x8x10000xf32, #tpu.memory_space<vmem>>, %arg3: memref<8x8x10000xf32, #tpu.memory_space<vmem>>) attributes {dimension_semantics = [#tpu.dimension_semantics<arbitrary>], iteration_bounds = array<i64: 8>, scalar_prefetch = 0 : i64, scratch_operands = 0 : i64, tpu.core_type = #tpu.core_type<tc>, window_params = [{pipeline_mode = #tpu.pipeline_mode<synchronous>, transform_indices = @transform_0, window_bounds = array<i64: 8, 30>}, {transform_indices = @transform_1, window_bounds = array<i64: 30, 8, 10000>}, {transform_indices = @transform_2, window_bounds = array<i64: 8, 8, 10000>}]} {
    %get3A = arith.constant 0 : index
    %get3A_0 = arith.constant 0 : index
    %get3A_1 = vector.load %arg1[%get3A, %get3A_0] : memref<8x30xf32, #tpu.memory_space<vmem>>, vector<8x30xf32>
    %get3A_2 = arith.constant 0 : index
    %get3A_3 = arith.constant 0 : index
    %get3A_4 = arith.constant 0 : index
    %get3A_5 = vector.load %arg2[%get3A_2, %get3A_3, %get3A_4] : memref<30x8x10000xf32, #tpu.memory_space<vmem>>, vector<30x1x10000xf32>
    %get3A_6 = vector.shape_cast %get3A_5 : vector<30x1x10000xf32> to vector<30x10000xf32>
    %dot_general3A = arith.constant dense<0.000000e+00> : vector<8x10000xf32>
    %dot_general3A_7 = tpu.matmul %get3A_1, %get3A_6, %dot_general3A {dimension_numbers = #tpu.dot_dimension_numbers<[1], [0], [0], [1], [0, 0, 1, 1], [], []>, transpose_lhs_hint = false} : vector<8x30xf32>, vector<30x10000xf32>, vector<8x10000xf32> -> vector<8x10000xf32>
    %swap3A = arith.constant 0 : index
    %swap3A_8 = arith.constant 0 : index
    %swap3A_9 = arith.constant 0 : index
    %swap3A_10 = vector.load %arg3[%swap3A, %swap3A_8, %swap3A_9] : memref<8x8x10000xf32, #tpu.memory_space<vmem>>, vector<8x1x10000xf32>
    %swap3A_11 = vector.shape_cast %swap3A_10 : vector<8x1x10000xf32> to vector<8x10000xf32>
    %swap3A_12 = vector.shape_cast %dot_general3A_7 : vector<8x10000xf32> to vector<8x1x10000xf32>
    tpu.vector_store %arg3[%swap3A, %swap3A_8, %swap3A_9], %swap3A_12 {strides = array<i32>} : memref<8x8x10000xf32, #tpu.memory_space<vmem>>, vector<8x1x10000xf32>,
    %get3A_13 = arith.constant 0 : index
    %get3A_14 = arith.constant 0 : index
    %get3A_15 = vector.load %arg1[%get3A_13, %get3A_14] : memref<8x30xf32, #tpu.memory_space<vmem>>, vector<8x30xf32>
    %get3A_16 = arith.constant 0 : index
    %get3A_17 = arith.constant 1 : index
    %get3A_18 = arith.constant 0 : index
    %get3A_19 = vector.load %arg2[%get3A_16, %get3A_17, %get3A_18] : memref<30x8x10000xf32, #tpu.memory_space<vmem>>, vector<30x1x10000xf32>
    %get3A_20 = vector.shape_cast %get3A_19 : vector<30x1x10000xf32> to vector<30x10000xf32>
    %dot_general3A_21 = arith.constant dense<0.000000e+00> : vector<8x10000xf32>
    %dot_general3A_22 = tpu.matmul %get3A_15, %get3A_20, %dot_general3A_21 {dimension_numbers = #tpu.dot_dimension_numbers<[1], [0], [0], [1], [0, 0, 1, 1], [], []>, transpose_lhs_hint = false} : vector<8x30xf32>, vector<30x10000xf32>, vector<8x10000xf32> -> vector<8x10000xf32>
    %swap3A_23 = arith.constant 0 : index
    %swap3A_24 = arith.constant 1 : index
    %swap3A_25 = arith.constant 0 : index
    %swap3A_26 = vector.load %arg3[%swap3A_23, %swap3A_24, %swap3A_25] : memref<8x8x10000xf32, #tpu.memory_space<vmem>>, vector<8x1x10000xf32>
    %swap3A_27 = vector.shape_cast %swap3A_26 : vector<8x1x10000xf32> to vector<8x10000xf32>
    %swap3A_28 = vector.shape_cast %dot_general3A_22 : vector<8x10000xf32> to vector<8x1x10000xf32>
    tpu.vector_store %arg3[%swap3A_23, %swap3A_24, %swap3A_25], %swap3A_28 {strides = array<i32>} : memref<8x8x10000xf32, #tpu.memory_space<vmem>>, vector<8x1x10000xf32>,
    %get3A_29 = arith.constant 0 : index
    %get3A_30 = arith.constant 0 : index
    %get3A_31 = vector.load %arg1[%get3A_29, %get3A_30] : memref<8x30xf32, #tpu.memory_space<vmem>>, vector<8x30xf32>
    %get3A_32 = arith.constant 0 : index
    %get3A_33 = arith.constant 2 : index
    %get3A_34 = arith.constant 0 : index
    %get3A_35 = vector.load %arg2[%get3A_32, %get3A_33, %get3A_34] : memref<30x8x10000xf32, #tpu.memory_space<vmem>>, vector<30x1x10000xf32>
    %get3A_36 = vector.shape_cast %get3A_35 : vector<30x1x10000xf32> to vector<30x10000xf32>
    %dot_general3A_37 = arith.constant dense<0.000000e+00> : vector<8x10000xf32>
    %dot_general3A_38 = tpu.matmul %get3A_31, %get3A_36, %dot_general3A_37 {dimension_numbers = #tpu.dot_dimension_numbers<[1], [0], [0], [1], [0, 0, 1, 1], [], []>, transpose_lhs_hint = false} : vector<8x30xf32>, vector<30x10000xf32>, vector<8x10000xf32> -> vector<8x10000xf32>
    %swap3A_39 = arith.constant 0 : index
    %swap3A_40 = arith.constant 2 : index
    %swap3A_41 = arith.constant 0 : index
    %swap3A_42 = vector.load %arg3[%swap3A_39, %swap3A_40, %swap3A_41] : memref<8x8x10000xf32, #tpu.memory_space<vmem>>, vector<8x1x10000xf32>
    %swap3A_43 = vector.shape_cast %swap3A_42 : vector<8x1x10000xf32> to vector<8x10000xf32>
    %swap3A_44 = vector.shape_cast %dot_general3A_38 : vector<8x10000xf32> to vector<8x1x10000xf32>
    tpu.vector_store %arg3[%swap3A_39, %swap3A_40, %swap3A_41], %swap3A_44 {strides = array<i32>} : memref<8x8x10000xf32, #tpu.memory_space<vmem>>, vector<8x1x10000xf32>,
    %get3A_45 = arith.constant 0 : index
    %get3A_46 = arith.constant 0 : index
    %get3A_47 = vector.load %arg1[%get3A_45, %get3A_46] : memref<8x30xf32, #tpu.memory_space<vmem>>, vector<8x30xf32>
    %get3A_48 = arith.constant 0 : index
    %get3A_49 = arith.constant 3 : index
    %get3A_50 = arith.constant 0 : index
    %get3A_51 = vector.load %arg2[%get3A_48, %get3A_49, %get3A_50] : memref<30x8x10000xf32, #tpu.memory_space<vmem>>, vector<30x1x10000xf32>
    %get3A_52 = vector.shape_cast %get3A_51 : vector<30x1x10000xf32> to vector<30x10000xf32>
    %dot_general3A_53 = arith.constant dense<0.000000e+00> : vector<8x10000xf32>
    %dot_general3A_54 = tpu.matmul %get3A_47, %get3A_52, %dot_general3A_53 {dimension_numbers = #tpu.dot_dimension_numbers<[1], [0], [0], [1], [0, 0, 1, 1], [], []>, transpose_lhs_hint = false} : vector<8x30xf32>, vector<30x10000xf32>, vector<8x10000xf32> -> vector<8x10000xf32>
    %swap3A_55 = arith.constant 0 : index
    %swap3A_56 = arith.constant 3 : index
    %swap3A_57 = arith.constant 0 : index
    %swap3A_58 = vector.load %arg3[%swap3A_55, %swap3A_56, %swap3A_57] : memref<8x8x10000xf32, #tpu.memory_space<vmem>>, vector<8x1x10000xf32>
    %swap3A_59 = vector.shape_cast %swap3A_58 : vector<8x1x10000xf32> to vector<8x10000xf32>
    %swap3A_60 = vector.shape_cast %dot_general3A_54 : vector<8x10000xf32> to vector<8x1x10000xf32>
    tpu.vector_store %arg3[%swap3A_55, %swap3A_56, %swap3A_57], %swap3A_60 {strides = array<i32>} : memref<8x8x10000xf32, #tpu.memory_space<vmem>>, vector<8x1x10000xf32>,
    %get3A_61 = arith.constant 0 : index
    %get3A_62 = arith.constant 0 : index
    %get3A_63 = vector.load %arg1[%get3A_61, %get3A_62] : memref<8x30xf32, #tpu.memory_space<vmem>>, vector<8x30xf32>
    %get3A_64 = arith.constant 0 : index
    %get3A_65 = arith.constant 4 : index
    %get3A_66 = arith.constant 0 : index
    %get3A_67 = vector.load %arg2[%get3A_64, %get3A_65, %get3A_66] : memref<30x8x10000xf32, #tpu.memory_space<vmem>>, vector<30x1x10000xf32>
    %get3A_68 = vector.shape_cast %get3A_67 : vector<30x1x10000xf32> to vector<30x10000xf32>
    %dot_general3A_69 = arith.constant dense<0.000000e+00> : vector<8x10000xf32>
    %dot_general3A_70 = tpu.matmul %get3A_63, %get3A_68, %dot_general3A_69 {dimension_numbers = #tpu.dot_dimension_numbers<[1], [0], [0], [1], [0, 0, 1, 1], [], []>, transpose_lhs_hint = false} : vector<8x30xf32>, vector<30x10000xf32>, vector<8x10000xf32> -> vector<8x10000xf32>
    %swap3A_71 = arith.constant 0 : index
    %swap3A_72 = arith.constant 4 : index
    %swap3A_73 = arith.constant 0 : index
    %swap3A_74 = vector.load %arg3[%swap3A_71, %swap3A_72, %swap3A_73] : memref<8x8x10000xf32, #tpu.memory_space<vmem>>, vector<8x1x10000xf32>
    %swap3A_75 = vector.shape_cast %swap3A_74 : vector<8x1x10000xf32> to vector<8x10000xf32>
    %swap3A_76 = vector.shape_cast %dot_general3A_70 : vector<8x10000xf32> to vector<8x1x10000xf32>
    tpu.vector_store %arg3[%swap3A_71, %swap3A_72, %swap3A_73], %swap3A_76 {strides = array<i32>} : memref<8x8x10000xf32, #tpu.memory_space<vmem>>, vector<8x1x10000xf32>,
    %get3A_77 = arith.constant 0 : index
    %get3A_78 = arith.constant 0 : index
    %get3A_79 = vector.load %arg1[%get3A_77, %get3A_78] : memref<8x30xf32, #tpu.memory_space<vmem>>, vector<8x30xf32>
    %get3A_80 = arith.constant 0 : index
    %get3A_81 = arith.constant 5 : index
    %get3A_82 = arith.constant 0 : index
    %get3A_83 = vector.load %arg2[%get3A_80, %get3A_81, %get3A_82] : memref<30x8x10000xf32, #tpu.memory_space<vmem>>, vector<30x1x10000xf32>
    %get3A_84 = vector.shape_cast %get3A_83 : vector<30x1x10000xf32> to vector<30x10000xf32>
    %dot_general3A_85 = arith.constant dense<0.000000e+00> : vector<8x10000xf32>
    %dot_general3A_86 = tpu.matmul %get3A_79, %get3A_84, %dot_general3A_85 {dimension_numbers = #tpu.dot_dimension_numbers<[1], [0], [0], [1], [0, 0, 1, 1], [], []>, transpose_lhs_hint = false} : vector<8x30xf32>, vector<30x10000xf32>, vector<8x10000xf32> -> vector<8x10000xf32>
    %swap3A_87 = arith.constant 0 : index
    %swap3A_88 = arith.constant 5 : index
    %swap3A_89 = arith.constant 0 : index
    %swap3A_90 = vector.load %arg3[%swap3A_87, %swap3A_88, %swap3A_89] : memref<8x8x10000xf32, #tpu.memory_space<vmem>>, vector<8x1x10000xf32>
    %swap3A_91 = vector.shape_cast %swap3A_90 : vector<8x1x10000xf32> to vector<8x10000xf32>
    %swap3A_92 = vector.shape_cast %dot_general3A_86 : vector<8x10000xf32> to vector<8x1x10000xf32>
    tpu.vector_store %arg3[%swap3A_87, %swap3A_88, %swap3A_89], %swap3A_92 {strides = array<i32>} : memref<8x8x10000xf32, #tpu.memory_space<vmem>>, vector<8x1x10000xf32>,
    %get3A_93 = arith.constant 0 : index
    %get3A_94 = arith.constant 0 : index
    %get3A_95 = vector.load %arg1[%get3A_93, %get3A_94] : memref<8x30xf32, #tpu.memory_space<vmem>>, vector<8x30xf32>
    %get3A_96 = arith.constant 0 : index
    %get3A_97 = arith.constant 6 : index
    %get3A_98 = arith.constant 0 : index
    %get3A_99 = vector.load %arg2[%get3A_96, %get3A_97, %get3A_98] : memref<30x8x10000xf32, #tpu.memory_space<vmem>>, vector<30x1x10000xf32>
    %get3A_100 = vector.shape_cast %get3A_99 : vector<30x1x10000xf32> to vector<30x10000xf32>
    %dot_general3A_101 = arith.constant dense<0.000000e+00> : vector<8x10000xf32>
    %dot_general3A_102 = tpu.matmul %get3A_95, %get3A_100, %dot_general3A_101 {dimension_numbers = #tpu.dot_dimension_numbers<[1], [0], [0], [1], [0, 0, 1, 1], [], []>, transpose_lhs_hint = false} : vector<8x30xf32>, vector<30x10000xf32>, vector<8x10000xf32> -> vector<8x10000xf32>
    %swap3A_103 = arith.constant 0 : index
    %swap3A_104 = arith.constant 6 : index
    %swap3A_105 = arith.constant 0 : index
    %swap3A_106 = vector.load %arg3[%swap3A_103, %swap3A_104, %swap3A_105] : memref<8x8x10000xf32, #tpu.memory_space<vmem>>, vector<8x1x10000xf32>
    %swap3A_107 = vector.shape_cast %swap3A_106 : vector<8x1x10000xf32> to vector<8x10000xf32>
    %swap3A_108 = vector.shape_cast %dot_general3A_102 : vector<8x10000xf32> to vector<8x1x10000xf32>
    tpu.vector_store %arg3[%swap3A_103, %swap3A_104, %swap3A_105], %swap3A_108 {strides = array<i32>} : memref<8x8x10000xf32, #tpu.memory_space<vmem>>, vector<8x1x10000xf32>,
    %get3A_109 = arith.constant 0 : index
    %get3A_110 = arith.constant 0 : index
    %get3A_111 = vector.load %arg1[%get3A_109, %get3A_110] : memref<8x30xf32, #tpu.memory_space<vmem>>, vector<8x30xf32>
    %get3A_112 = arith.constant 0 : index
    %get3A_113 = arith.constant 7 : index
    %get3A_114 = arith.constant 0 : index
    %get3A_115 = vector.load %arg2[%get3A_112, %get3A_113, %get3A_114] : memref<30x8x10000xf32, #tpu.memory_space<vmem>>, vector<30x1x10000xf32>
    %get3A_116 = vector.shape_cast %get3A_115 : vector<30x1x10000xf32> to vector<30x10000xf32>
    %dot_general3A_117 = arith.constant dense<0.000000e+00> : vector<8x10000xf32>
    %dot_general3A_118 = tpu.matmul %get3A_111, %get3A_116, %dot_general3A_117 {dimension_numbers = #tpu.dot_dimension_numbers<[1], [0], [0], [1], [0, 0, 1, 1], [], []>, transpose_lhs_hint = false} : vector<8x30xf32>, vector<30x10000xf32>, vector<8x10000xf32> -> vector<8x10000xf32>
    %swap3A_119 = arith.constant 0 : index
    %swap3A_120 = arith.constant 7 : index
    %swap3A_121 = arith.constant 0 : index
    %swap3A_122 = vector.load %arg3[%swap3A_119, %swap3A_120, %swap3A_121] : memref<8x8x10000xf32, #tpu.memory_space<vmem>>, vector<8x1x10000xf32>
    %swap3A_123 = vector.shape_cast %swap3A_122 : vector<8x1x10000xf32> to vector<8x10000xf32>
    %swap3A_124 = vector.shape_cast %dot_general3A_118 : vector<8x10000xf32> to vector<8x1x10000xf32>
    tpu.vector_store %arg3[%swap3A_119, %swap3A_120, %swap3A_121], %swap3A_124 {strides = array<i32>} : memref<8x8x10000xf32, #tpu.memory_space<vmem>>, vector<8x1x10000xf32>,
    return
  }
  func.func @transform_0(%arg0: i32) -> (i32, i32) {
    %c0_i32 = arith.constant 0 : i32
    %c0_i32_0 = arith.constant 0 : i32
    %c0_i32_1 = arith.constant 0 : i32
    return %c0_i32, %c0_i32_0 : i32, i32
  }
  func.func @transform_1(%arg0: i32) -> (i32, i32, i32) {
    %c0_i32 = arith.constant 0 : i32
    %c0_i32_0 = arith.constant 0 : i32
    %c0_i32_1 = arith.constant 0 : i32
    return %c0_i32, %arg0, %c0_i32_0 : i32, i32, i32
  }
  func.func @transform_2(%arg0: i32) -> (i32, i32, i32) {
    %c0_i32 = arith.constant 0 : i32
    %c0_i32_0 = arith.constant 0 : i32
    %c0_i32_1 = arith.constant 0 : i32
    return %c0_i32, %arg0, %c0_i32_0 : i32, i32, i32
  }
}

module attributes {stable_mosaic.version = 14 : i64} {
  func.func @_gidx_body(%arg0: i32, %arg1: memref<1000x128xi32, #tpu.memory_space<vmem>>, %arg2: memref<1000x128xi32, #tpu.memory_space<vmem>>, %arg3: memref<1000x128xi32, #tpu.memory_space<vmem>>) attributes {dimension_semantics = [#tpu.dimension_semantics<arbitrary>], iteration_bounds = array<i64: 5>, scalar_prefetch = 0 : i64, scratch_operands = 0 : i64, tpu.core_type = #tpu.core_type<tc>, window_params = [{transform_indices = @transform_0, window_bounds = array<i64: 1000, 128>}, {transform_indices = @transform_1, window_bounds = array<i64: 1000, 128>}, {transform_indices = @transform_2, window_bounds = array<i64: 1000, 128>}]} {
    %get3A = arith.constant 0 : index
    %get3A_0 = arith.constant 0 : index
    %get3A_1 = vector.load %arg2[%get3A, %get3A_0] : memref<1000x128xi32, #tpu.memory_space<vmem>>, vector<1000x128xi32>
    %mul3A = arith.constant 10000 : i32
    %mul3A_2 = vector.broadcast %mul3A : i32 to vector<1000x128xi32>
    %mul3A_3 = arith.muli %get3A_1, %mul3A_2 : vector<1000x128xi32>
    %get3A_4 = arith.constant 0 : index
    %get3A_5 = arith.constant 0 : index
    %get3A_6 = vector.load %arg1[%get3A_4, %get3A_5] : memref<1000x128xi32, #tpu.memory_space<vmem>>, vector<1000x128xi32>
    %add3A = arith.addi %mul3A_3, %get3A_6 : vector<1000x128xi32>
    %swap3A = arith.constant 0 : index
    %swap3A_7 = arith.constant 0 : index
    %swap3A_8 = vector.load %arg3[%swap3A, %swap3A_7] : memref<1000x128xi32, #tpu.memory_space<vmem>>, vector<1000x128xi32>
    tpu.vector_store %arg3[%swap3A, %swap3A_7], %add3A {strides = array<i32>} : memref<1000x128xi32, #tpu.memory_space<vmem>>, vector<1000x128xi32>,
    return
  }
  func.func @transform_0(%arg0: i32) -> (i32, i32) {
    %c0_i32 = arith.constant 0 : i32
    %c0_i32_0 = arith.constant 0 : i32
    return %arg0, %c0_i32 : i32, i32
  }
  func.func @transform_1(%arg0: i32) -> (i32, i32) {
    %c0_i32 = arith.constant 0 : i32
    %c0_i32_0 = arith.constant 0 : i32
    return %arg0, %c0_i32 : i32, i32
  }
  func.func @transform_2(%arg0: i32) -> (i32, i32) {
    %c0_i32 = arith.constant 0 : i32
    %c0_i32_0 = arith.constant 0 : i32
    return %arg0, %c0_i32 : i32, i32
  }
}

module attributes {stable_mosaic.version = 14 : i64} {
  func.func @_w2_body(%arg0: memref<8x30xf32, #tpu.memory_space<vmem>>, %arg1: memref<30x2048xf32, #tpu.memory_space<vmem>>, %arg2: memref<8x2048xf32, #tpu.memory_space<vmem>>) attributes {dimension_semantics = [], scalar_prefetch = 0 : i64, scratch_operands = 0 : i64, tpu.core_type = #tpu.core_type<tc>} {
    %get3A = arith.constant 0 : index
    %get3A_0 = arith.constant 0 : index
    %get3A_1 = vector.load %arg0[%get3A, %get3A_0] : memref<8x30xf32, #tpu.memory_space<vmem>>, vector<8x30xf32>
    %get3A_2 = arith.constant 0 : index
    %get3A_3 = arith.constant 0 : index
    %get3A_4 = vector.load %arg1[%get3A_2, %get3A_3] : memref<30x2048xf32, #tpu.memory_space<vmem>>, vector<30x2048xf32>
    %dot_general3A = arith.constant dense<0.000000e+00> : vector<8x2048xf32>
    %dot_general3A_5 = tpu.matmul %get3A_1, %get3A_4, %dot_general3A {dimension_numbers = #tpu.dot_dimension_numbers<[1], [0], [0], [1], [0, 0, 1, 1], [], []>, transpose_lhs_hint = false} : vector<8x30xf32>, vector<30x2048xf32>, vector<8x2048xf32> -> vector<8x2048xf32>
    %swap3A = arith.constant 0 : index
    %swap3A_6 = arith.constant 0 : index
    %swap3A_7 = vector.load %arg2[%swap3A, %swap3A_6] : memref<8x2048xf32, #tpu.memory_space<vmem>>, vector<8x2048xf32>
    tpu.vector_store %arg2[%swap3A, %swap3A_6], %dot_general3A_5 {strides = array<i32>} : memref<8x2048xf32, #tpu.memory_space<vmem>>, vector<8x2048xf32>,
    return
  }
}

module attributes {stable_mosaic.version = 14 : i64} {
  func.func @_h1_body(%arg0: i32, %arg1: memref<2x2000x64xf32, #tpu.memory_space<vmem>>, %arg2: memref<2x2000x8xf32, #tpu.memory_space<vmem>>, %arg3: memref<2000x64xf32, #tpu.memory_space<vmem>>, %arg4: memref<1x64xf32, #tpu.memory_space<vmem>>, %arg5: memref<8x64x32xf32, #tpu.memory_space<vmem>>, %arg6: memref<64x32xf32, #tpu.memory_space<vmem>>, %arg7: memref<8x2000x32xf32, #tpu.memory_space<vmem>>, %arg8: memref<2000x32xf32, #tpu.memory_space<vmem>>) attributes {dimension_semantics = [#tpu.dimension_semantics<arbitrary>], iteration_bounds = array<i64: 5>, scalar_prefetch = 0 : i64, scratch_operands = 0 : i64, tpu.core_type = #tpu.core_type<tc>, window_params = [{transform_indices = @transform_0, window_bounds = array<i64: 2, 2000, 64>}, {transform_indices = @transform_1, window_bounds = array<i64: 2, 2000, 8>}, {transform_indices = @transform_2, window_bounds = array<i64: 2000, 64>}, {pipeline_mode = #tpu.pipeline_mode<synchronous>, transform_indices = @transform_3, window_bounds = array<i64: 1, 64>}, {pipeline_mode = #tpu.pipeline_mode<synchronous>, transform_indices = @transform_4, window_bounds = array<i64: 8, 64, 32>}, {pipeline_mode = #tpu.pipeline_mode<synchronous>, transform_indices = @transform_5, window_bounds = array<i64: 64, 32>}, {transform_indices = @transform_6, window_bounds = array<i64: 8, 2000, 32>}, {transform_indices = @transform_7, window_bounds = array<i64: 2000, 32>}]} {
    %get3A = arith.constant 0 : index
    %get3A_0 = arith.constant 0 : index
    %get3A_1 = arith.constant 0 : index
    %get3A_2 = vector.load %arg2[%get3A, %get3A_0, %get3A_1] : memref<2x2000x8xf32, #tpu.memory_space<vmem>>, vector<1x2000x8xf32>
    %get3A_3 = vector.shape_cast %get3A_2 : vector<1x2000x8xf32> to vector<2000x8xf32>
    %get3A_4 = arith.constant 1 : index
    %get3A_5 = arith.constant 0 : index
    %get3A_6 = arith.constant 0 : index
    %get3A_7 = vector.load %arg2[%get3A_4, %get3A_5, %get3A_6] : memref<2x2000x8xf32, #tpu.memory_space<vmem>>, vector<1x2000x8xf32>
    %get3A_8 = vector.shape_cast %get3A_7 : vector<1x2000x8xf32> to vector<2000x8xf32>
    %add3A = arith.addf %get3A_3, %get3A_8 : vector<2000x8xf32>
    %slice3A = vector.extract_strided_slice %add3A {offsets = [0, 0], sizes = [2000, 1], strides = [1, 1]} : vector<2000x8xf32> to vector<2000x1xf32>
    %max3A = arith.constant 1.000000e+00 : f32
    %max3A_9 = vector.broadcast %max3A : f32 to vector<2000x1xf32>
    %max3A_10 = arith.maximumf %slice3A, %max3A_9 : vector<2000x1xf32>
    %div3A = arith.constant 1.000000e+00 : f32
    %div3A_11 = vector.broadcast %div3A : f32 to vector<2000x1xf32>
    %div3A_12 = arith.divf %div3A_11, %max3A_10 : vector<2000x1xf32>
    %get3A_13 = arith.constant 0 : index
    %get3A_14 = arith.constant 0 : index
    %get3A_15 = arith.constant 0 : index
    %get3A_16 = vector.load %arg1[%get3A_13, %get3A_14, %get3A_15] : memref<2x2000x64xf32, #tpu.memory_space<vmem>>, vector<1x2000x64xf32>
    %get3A_17 = vector.shape_cast %get3A_16 : vector<1x2000x64xf32> to vector<2000x64xf32>
    %get3A_18 = arith.constant 1 : index
    %get3A_19 = arith.constant 0 : index
    %get3A_20 = arith.constant 0 : index
    %get3A_21 = vector.load %arg1[%get3A_18, %get3A_19, %get3A_20] : memref<2x2000x64xf32, #tpu.memory_space<vmem>>, vector<1x2000x64xf32>
    %get3A_22 = vector.shape_cast %get3A_21 : vector<1x2000x64xf32> to vector<2000x64xf32>
    %add3A_23 = arith.addf %get3A_17, %get3A_22 : vector<2000x64xf32>
    %mul3A = vector.broadcast %div3A_12 : vector<2000x1xf32> to vector<2000x64xf32>
    %mul3A_24 = arith.mulf %add3A_23, %mul3A : vector<2000x64xf32>
    %get3A_25 = arith.constant 0 : index
    %get3A_26 = arith.constant 0 : index
    %get3A_27 = vector.load %arg3[%get3A_25, %get3A_26] : memref<2000x64xf32, #tpu.memory_space<vmem>>, vector<2000x64xf32>
    %add3A_28 = arith.addf %mul3A_24, %get3A_27 : vector<2000x64xf32>
    %get3A_29 = arith.constant 0 : index
    %get3A_30 = arith.constant 0 : index
    %get3A_31 = vector.load %arg4[%get3A_29, %get3A_30] : memref<1x64xf32, #tpu.memory_space<vmem>>, vector<1x64xf32>
    %add3A_32 = vector.broadcast %get3A_31 : vector<1x64xf32> to vector<2000x64xf32>
    %add3A_33 = arith.addf %add3A_28, %add3A_32 : vector<2000x64xf32>
    %max3A_34 = arith.constant 0.000000e+00 : f32
    %max3A_35 = vector.broadcast %max3A_34 : f32 to vector<2000x64xf32>
    %max3A_36 = arith.maximumf %add3A_33, %max3A_35 : vector<2000x64xf32>
    %get3A_37 = arith.constant 0 : index
    %get3A_38 = arith.constant 0 : index
    %get3A_39 = arith.constant 0 : index
    %get3A_40 = vector.load %arg5[%get3A_37, %get3A_38, %get3A_39] : memref<8x64x32xf32, #tpu.memory_space<vmem>>, vector<1x64x32xf32>
    %get3A_41 = vector.shape_cast %get3A_40 : vector<1x64x32xf32> to vector<64x32xf32>
    %dot_general3A = arith.constant dense<0.000000e+00> : vector<2000x32xf32>
    %dot_general3A_42 = tpu.matmul %max3A_36, %get3A_41, %dot_general3A {dimension_numbers = #tpu.dot_dimension_numbers<[1], [0], [0], [1], [0, 0, 1, 1], [], []>, transpose_lhs_hint = false} : vector<2000x64xf32>, vector<64x32xf32>, vector<2000x32xf32> -> vector<2000x32xf32>
    %swap3A = arith.constant 0 : index
    %swap3A_43 = arith.constant 0 : index
    %swap3A_44 = arith.constant 0 : index
    %swap3A_45 = vector.load %arg7[%swap3A, %swap3A_43, %swap3A_44] : memref<8x2000x32xf32, #tpu.memory_space<vmem>>, vector<1x2000x32xf32>
    %swap3A_46 = vector.shape_cast %swap3A_45 : vector<1x2000x32xf32> to vector<2000x32xf32>
    %swap3A_47 = vector.shape_cast %dot_general3A_42 : vector<2000x32xf32> to vector<1x2000x32xf32>
    tpu.vector_store %arg7[%swap3A, %swap3A_43, %swap3A_44], %swap3A_47 {strides = array<i32>} : memref<8x2000x32xf32, #tpu.memory_space<vmem>>, vector<1x2000x32xf32>,
    %get3A_48 = arith.constant 1 : index
    %get3A_49 = arith.constant 0 : index
    %get3A_50 = arith.constant 0 : index
    %get3A_51 = vector.load %arg5[%get3A_48, %get3A_49, %get3A_50] : memref<8x64x32xf32, #tpu.memory_space<vmem>>, vector<1x64x32xf32>
    %get3A_52 = vector.shape_cast %get3A_51 : vector<1x64x32xf32> to vector<64x32xf32>
    %dot_general3A_53 = arith.constant dense<0.000000e+00> : vector<2000x32xf32>
    %dot_general3A_54 = tpu.matmul %max3A_36, %get3A_52, %dot_general3A_53 {dimension_numbers = #tpu.dot_dimension_numbers<[1], [0], [0], [1], [0, 0, 1, 1], [], []>, transpose_lhs_hint = false} : vector<2000x64xf32>, vector<64x32xf32>, vector<2000x32xf32> -> vector<2000x32xf32>
    %swap3A_55 = arith.constant 1 : index
    %swap3A_56 = arith.constant 0 : index
    %swap3A_57 = arith.constant 0 : index
    %swap3A_58 = vector.load %arg7[%swap3A_55, %swap3A_56, %swap3A_57] : memref<8x2000x32xf32, #tpu.memory_space<vmem>>, vector<1x2000x32xf32>
    %swap3A_59 = vector.shape_cast %swap3A_58 : vector<1x2000x32xf32> to vector<2000x32xf32>
    %swap3A_60 = vector.shape_cast %dot_general3A_54 : vector<2000x32xf32> to vector<1x2000x32xf32>
    tpu.vector_store %arg7[%swap3A_55, %swap3A_56, %swap3A_57], %swap3A_60 {strides = array<i32>} : memref<8x2000x32xf32, #tpu.memory_space<vmem>>, vector<1x2000x32xf32>,
    %get3A_61 = arith.constant 2 : index
    %get3A_62 = arith.constant 0 : index
    %get3A_63 = arith.constant 0 : index
    %get3A_64 = vector.load %arg5[%get3A_61, %get3A_62, %get3A_63] : memref<8x64x32xf32, #tpu.memory_space<vmem>>, vector<1x64x32xf32>
    %get3A_65 = vector.shape_cast %get3A_64 : vector<1x64x32xf32> to vector<64x32xf32>
    %dot_general3A_66 = arith.constant dense<0.000000e+00> : vector<2000x32xf32>
    %dot_general3A_67 = tpu.matmul %max3A_36, %get3A_65, %dot_general3A_66 {dimension_numbers = #tpu.dot_dimension_numbers<[1], [0], [0], [1], [0, 0, 1, 1], [], []>, transpose_lhs_hint = false} : vector<2000x64xf32>, vector<64x32xf32>, vector<2000x32xf32> -> vector<2000x32xf32>
    %swap3A_68 = arith.constant 2 : index
    %swap3A_69 = arith.constant 0 : index
    %swap3A_70 = arith.constant 0 : index
    %swap3A_71 = vector.load %arg7[%swap3A_68, %swap3A_69, %swap3A_70] : memref<8x2000x32xf32, #tpu.memory_space<vmem>>, vector<1x2000x32xf32>
    %swap3A_72 = vector.shape_cast %swap3A_71 : vector<1x2000x32xf32> to vector<2000x32xf32>
    %swap3A_73 = vector.shape_cast %dot_general3A_67 : vector<2000x32xf32> to vector<1x2000x32xf32>
    tpu.vector_store %arg7[%swap3A_68, %swap3A_69, %swap3A_70], %swap3A_73 {strides = array<i32>} : memref<8x2000x32xf32, #tpu.memory_space<vmem>>, vector<1x2000x32xf32>,
    %get3A_74 = arith.constant 3 : index
    %get3A_75 = arith.constant 0 : index
    %get3A_76 = arith.constant 0 : index
    %get3A_77 = vector.load %arg5[%get3A_74, %get3A_75, %get3A_76] : memref<8x64x32xf32, #tpu.memory_space<vmem>>, vector<1x64x32xf32>
    %get3A_78 = vector.shape_cast %get3A_77 : vector<1x64x32xf32> to vector<64x32xf32>
    %dot_general3A_79 = arith.constant dense<0.000000e+00> : vector<2000x32xf32>
    %dot_general3A_80 = tpu.matmul %max3A_36, %get3A_78, %dot_general3A_79 {dimension_numbers = #tpu.dot_dimension_numbers<[1], [0], [0], [1], [0, 0, 1, 1], [], []>, transpose_lhs_hint = false} : vector<2000x64xf32>, vector<64x32xf32>, vector<2000x32xf32> -> vector<2000x32xf32>
    %swap3A_81 = arith.constant 3 : index
    %swap3A_82 = arith.constant 0 : index
    %swap3A_83 = arith.constant 0 : index
    %swap3A_84 = vector.load %arg7[%swap3A_81, %swap3A_82, %swap3A_83] : memref<8x2000x32xf32, #tpu.memory_space<vmem>>, vector<1x2000x32xf32>
    %swap3A_85 = vector.shape_cast %swap3A_84 : vector<1x2000x32xf32> to vector<2000x32xf32>
    %swap3A_86 = vector.shape_cast %dot_general3A_80 : vector<2000x32xf32> to vector<1x2000x32xf32>
    tpu.vector_store %arg7[%swap3A_81, %swap3A_82, %swap3A_83], %swap3A_86 {strides = array<i32>} : memref<8x2000x32xf32, #tpu.memory_space<vmem>>, vector<1x2000x32xf32>,
    %get3A_87 = arith.constant 4 : index
    %get3A_88 = arith.constant 0 : index
    %get3A_89 = arith.constant 0 : index
    %get3A_90 = vector.load %arg5[%get3A_87, %get3A_88, %get3A_89] : memref<8x64x32xf32, #tpu.memory_space<vmem>>, vector<1x64x32xf32>
    %get3A_91 = vector.shape_cast %get3A_90 : vector<1x64x32xf32> to vector<64x32xf32>
    %dot_general3A_92 = arith.constant dense<0.000000e+00> : vector<2000x32xf32>
    %dot_general3A_93 = tpu.matmul %max3A_36, %get3A_91, %dot_general3A_92 {dimension_numbers = #tpu.dot_dimension_numbers<[1], [0], [0], [1], [0, 0, 1, 1], [], []>, transpose_lhs_hint = false} : vector<2000x64xf32>, vector<64x32xf32>, vector<2000x32xf32> -> vector<2000x32xf32>
    %swap3A_94 = arith.constant 4 : index
    %swap3A_95 = arith.constant 0 : index
    %swap3A_96 = arith.constant 0 : index
    %swap3A_97 = vector.load %arg7[%swap3A_94, %swap3A_95, %swap3A_96] : memref<8x2000x32xf32, #tpu.memory_space<vmem>>, vector<1x2000x32xf32>
    %swap3A_98 = vector.shape_cast %swap3A_97 : vector<1x2000x32xf32> to vector<2000x32xf32>
    %swap3A_99 = vector.shape_cast %dot_general3A_93 : vector<2000x32xf32> to vector<1x2000x32xf32>
    tpu.vector_store %arg7[%swap3A_94, %swap3A_95, %swap3A_96], %swap3A_99 {strides = array<i32>} : memref<8x2000x32xf32, #tpu.memory_space<vmem>>, vector<1x2000x32xf32>,
    %get3A_100 = arith.constant 5 : index
    %get3A_101 = arith.constant 0 : index
    %get3A_102 = arith.constant 0 : index
    %get3A_103 = vector.load %arg5[%get3A_100, %get3A_101, %get3A_102] : memref<8x64x32xf32, #tpu.memory_space<vmem>>, vector<1x64x32xf32>
    %get3A_104 = vector.shape_cast %get3A_103 : vector<1x64x32xf32> to vector<64x32xf32>
    %dot_general3A_105 = arith.constant dense<0.000000e+00> : vector<2000x32xf32>
    %dot_general3A_106 = tpu.matmul %max3A_36, %get3A_104, %dot_general3A_105 {dimension_numbers = #tpu.dot_dimension_numbers<[1], [0], [0], [1], [0, 0, 1, 1], [], []>, transpose_lhs_hint = false} : vector<2000x64xf32>, vector<64x32xf32>, vector<2000x32xf32> -> vector<2000x32xf32>
    %swap3A_107 = arith.constant 5 : index
    %swap3A_108 = arith.constant 0 : index
    %swap3A_109 = arith.constant 0 : index
    %swap3A_110 = vector.load %arg7[%swap3A_107, %swap3A_108, %swap3A_109] : memref<8x2000x32xf32, #tpu.memory_space<vmem>>, vector<1x2000x32xf32>
    %swap3A_111 = vector.shape_cast %swap3A_110 : vector<1x2000x32xf32> to vector<2000x32xf32>
    %swap3A_112 = vector.shape_cast %dot_general3A_106 : vector<2000x32xf32> to vector<1x2000x32xf32>
    tpu.vector_store %arg7[%swap3A_107, %swap3A_108, %swap3A_109], %swap3A_112 {strides = array<i32>} : memref<8x2000x32xf32, #tpu.memory_space<vmem>>, vector<1x2000x32xf32>,
    %get3A_113 = arith.constant 6 : index
    %get3A_114 = arith.constant 0 : index
    %get3A_115 = arith.constant 0 : index
    %get3A_116 = vector.load %arg5[%get3A_113, %get3A_114, %get3A_115] : memref<8x64x32xf32, #tpu.memory_space<vmem>>, vector<1x64x32xf32>
    %get3A_117 = vector.shape_cast %get3A_116 : vector<1x64x32xf32> to vector<64x32xf32>
    %dot_general3A_118 = arith.constant dense<0.000000e+00> : vector<2000x32xf32>
    %dot_general3A_119 = tpu.matmul %max3A_36, %get3A_117, %dot_general3A_118 {dimension_numbers = #tpu.dot_dimension_numbers<[1], [0], [0], [1], [0, 0, 1, 1], [], []>, transpose_lhs_hint = false} : vector<2000x64xf32>, vector<64x32xf32>, vector<2000x32xf32> -> vector<2000x32xf32>
    %swap3A_120 = arith.constant 6 : index
    %swap3A_121 = arith.constant 0 : index
    %swap3A_122 = arith.constant 0 : index
    %swap3A_123 = vector.load %arg7[%swap3A_120, %swap3A_121, %swap3A_122] : memref<8x2000x32xf32, #tpu.memory_space<vmem>>, vector<1x2000x32xf32>
    %swap3A_124 = vector.shape_cast %swap3A_123 : vector<1x2000x32xf32> to vector<2000x32xf32>
    %swap3A_125 = vector.shape_cast %dot_general3A_119 : vector<2000x32xf32> to vector<1x2000x32xf32>
    tpu.vector_store %arg7[%swap3A_120, %swap3A_121, %swap3A_122], %swap3A_125 {strides = array<i32>} : memref<8x2000x32xf32, #tpu.memory_space<vmem>>, vector<1x2000x32xf32>,
    %get3A_126 = arith.constant 7 : index
    %get3A_127 = arith.constant 0 : index
    %get3A_128 = arith.constant 0 : index
    %get3A_129 = vector.load %arg5[%get3A_126, %get3A_127, %get3A_128] : memref<8x64x32xf32, #tpu.memory_space<vmem>>, vector<1x64x32xf32>
    %get3A_130 = vector.shape_cast %get3A_129 : vector<1x64x32xf32> to vector<64x32xf32>
    %dot_general3A_131 = arith.constant dense<0.000000e+00> : vector<2000x32xf32>
    %dot_general3A_132 = tpu.matmul %max3A_36, %get3A_130, %dot_general3A_131 {dimension_numbers = #tpu.dot_dimension_numbers<[1], [0], [0], [1], [0, 0, 1, 1], [], []>, transpose_lhs_hint = false} : vector<2000x64xf32>, vector<64x32xf32>, vector<2000x32xf32> -> vector<2000x32xf32>
    %swap3A_133 = arith.constant 7 : index
    %swap3A_134 = arith.constant 0 : index
    %swap3A_135 = arith.constant 0 : index
    %swap3A_136 = vector.load %arg7[%swap3A_133, %swap3A_134, %swap3A_135] : memref<8x2000x32xf32, #tpu.memory_space<vmem>>, vector<1x2000x32xf32>
    %swap3A_137 = vector.shape_cast %swap3A_136 : vector<1x2000x32xf32> to vector<2000x32xf32>
    %swap3A_138 = vector.shape_cast %dot_general3A_132 : vector<2000x32xf32> to vector<1x2000x32xf32>
    tpu.vector_store %arg7[%swap3A_133, %swap3A_134, %swap3A_135], %swap3A_138 {strides = array<i32>} : memref<8x2000x32xf32, #tpu.memory_space<vmem>>, vector<1x2000x32xf32>,
    %get3A_139 = arith.constant 0 : index
    %get3A_140 = arith.constant 0 : index
    %get3A_141 = vector.load %arg6[%get3A_139, %get3A_140] : memref<64x32xf32, #tpu.memory_space<vmem>>, vector<64x32xf32>
    %dot_general3A_142 = arith.constant dense<0.000000e+00> : vector<2000x32xf32>
    %dot_general3A_143 = tpu.matmul %max3A_36, %get3A_141, %dot_general3A_142 {dimension_numbers = #tpu.dot_dimension_numbers<[1], [0], [0], [1], [0, 0, 1, 1], [], []>, transpose_lhs_hint = false} : vector<2000x64xf32>, vector<64x32xf32>, vector<2000x32xf32> -> vector<2000x32xf32>
    %swap3A_144 = arith.constant 0 : index
    %swap3A_145 = arith.constant 0 : index
    %swap3A_146 = vector.load %arg8[%swap3A_144, %swap3A_145] : memref<2000x32xf32, #tpu.memory_space<vmem>>, vector<2000x32xf32>
    tpu.vector_store %arg8[%swap3A_144, %swap3A_145], %dot_general3A_143 {strides = array<i32>} : memref<2000x32xf32, #tpu.memory_space<vmem>>, vector<2000x32xf32>,
    return
  }
  func.func @transform_0(%arg0: i32) -> (i32, i32, i32) {
    %c0_i32 = arith.constant 0 : i32
    %c0_i32_0 = arith.constant 0 : i32
    %c0_i32_1 = arith.constant 0 : i32
    return %c0_i32, %arg0, %c0_i32_0 : i32, i32, i32
  }
  func.func @transform_1(%arg0: i32) -> (i32, i32, i32) {
    %c0_i32 = arith.constant 0 : i32
    %c0_i32_0 = arith.constant 0 : i32
    %c0_i32_1 = arith.constant 0 : i32
    return %c0_i32, %arg0, %c0_i32_0 : i32, i32, i32
  }
  func.func @transform_2(%arg0: i32) -> (i32, i32) {
    %c0_i32 = arith.constant 0 : i32
    %c0_i32_0 = arith.constant 0 : i32
    return %arg0, %c0_i32 : i32, i32
  }
  func.func @transform_3(%arg0: i32) -> (i32, i32) {
    %c0_i32 = arith.constant 0 : i32
    %c0_i32_0 = arith.constant 0 : i32
    %c0_i32_1 = arith.constant 0 : i32
    return %c0_i32, %c0_i32_0 : i32, i32
  }
  func.func @transform_4(%arg0: i32) -> (i32, i32, i32) {
    %c0_i32 = arith.constant 0 : i32
    %c0_i32_0 = arith.constant 0 : i32
    %c0_i32_1 = arith.constant 0 : i32
    %c0_i32_2 = arith.constant 0 : i32
    return %c0_i32, %c0_i32_0, %c0_i32_1 : i32, i32, i32
  }
  func.func @transform_5(%arg0: i32) -> (i32, i32) {
    %c0_i32 = arith.constant 0 : i32
    %c0_i32_0 = arith.constant 0 : i32
    %c0_i32_1 = arith.constant 0 : i32
    return %c0_i32, %c0_i32_0 : i32, i32
  }
  func.func @transform_6(%arg0: i32) -> (i32, i32, i32) {
    %c0_i32 = arith.constant 0 : i32
    %c0_i32_0 = arith.constant 0 : i32
    %c0_i32_1 = arith.constant 0 : i32
    return %c0_i32, %arg0, %c0_i32_0 : i32, i32, i32
  }
  func.func @transform_7(%arg0: i32) -> (i32, i32) {
    %c0_i32 = arith.constant 0 : i32
    %c0_i32_0 = arith.constant 0 : i32
    return %arg0, %c0_i32 : i32, i32
  }
}

module attributes {stable_mosaic.version = 14 : i64} {
  func.func @_out_body(%arg0: i32, %arg1: memref<2x2000x32xf32, #tpu.memory_space<vmem>>, %arg2: memref<2x2000x8xf32, #tpu.memory_space<vmem>>, %arg3: memref<2000x32xf32, #tpu.memory_space<vmem>>, %arg4: memref<1x32xf32, #tpu.memory_space<vmem>>, %arg5: memref<2000x32xf32, #tpu.memory_space<vmem>>) attributes {dimension_semantics = [#tpu.dimension_semantics<arbitrary>], iteration_bounds = array<i64: 5>, scalar_prefetch = 0 : i64, scratch_operands = 0 : i64, tpu.core_type = #tpu.core_type<tc>, window_params = [{transform_indices = @transform_0, window_bounds = array<i64: 2, 2000, 32>}, {transform_indices = @transform_1, window_bounds = array<i64: 2, 2000, 8>}, {transform_indices = @transform_2, window_bounds = array<i64: 2000, 32>}, {pipeline_mode = #tpu.pipeline_mode<synchronous>, transform_indices = @transform_3, window_bounds = array<i64: 1, 32>}, {transform_indices = @transform_4, window_bounds = array<i64: 2000, 32>}]} {
    %get3A = arith.constant 0 : index
    %get3A_0 = arith.constant 0 : index
    %get3A_1 = arith.constant 0 : index
    %get3A_2 = vector.load %arg2[%get3A, %get3A_0, %get3A_1] : memref<2x2000x8xf32, #tpu.memory_space<vmem>>, vector<1x2000x8xf32>
    %get3A_3 = vector.shape_cast %get3A_2 : vector<1x2000x8xf32> to vector<2000x8xf32>
    %get3A_4 = arith.constant 1 : index
    %get3A_5 = arith.constant 0 : index
    %get3A_6 = arith.constant 0 : index
    %get3A_7 = vector.load %arg2[%get3A_4, %get3A_5, %get3A_6] : memref<2x2000x8xf32, #tpu.memory_space<vmem>>, vector<1x2000x8xf32>
    %get3A_8 = vector.shape_cast %get3A_7 : vector<1x2000x8xf32> to vector<2000x8xf32>
    %add3A = arith.addf %get3A_3, %get3A_8 : vector<2000x8xf32>
    %slice3A = vector.extract_strided_slice %add3A {offsets = [0, 0], sizes = [2000, 1], strides = [1, 1]} : vector<2000x8xf32> to vector<2000x1xf32>
    %max3A = arith.constant 1.000000e+00 : f32
    %max3A_9 = vector.broadcast %max3A : f32 to vector<2000x1xf32>
    %max3A_10 = arith.maximumf %slice3A, %max3A_9 : vector<2000x1xf32>
    %div3A = arith.constant 1.000000e+00 : f32
    %div3A_11 = vector.broadcast %div3A : f32 to vector<2000x1xf32>
    %div3A_12 = arith.divf %div3A_11, %max3A_10 : vector<2000x1xf32>
    %get3A_13 = arith.constant 0 : index
    %get3A_14 = arith.constant 0 : index
    %get3A_15 = arith.constant 0 : index
    %get3A_16 = vector.load %arg1[%get3A_13, %get3A_14, %get3A_15] : memref<2x2000x32xf32, #tpu.memory_space<vmem>>, vector<1x2000x32xf32>
    %get3A_17 = vector.shape_cast %get3A_16 : vector<1x2000x32xf32> to vector<2000x32xf32>
    %get3A_18 = arith.constant 1 : index
    %get3A_19 = arith.constant 0 : index
    %get3A_20 = arith.constant 0 : index
    %get3A_21 = vector.load %arg1[%get3A_18, %get3A_19, %get3A_20] : memref<2x2000x32xf32, #tpu.memory_space<vmem>>, vector<1x2000x32xf32>
    %get3A_22 = vector.shape_cast %get3A_21 : vector<1x2000x32xf32> to vector<2000x32xf32>
    %add3A_23 = arith.addf %get3A_17, %get3A_22 : vector<2000x32xf32>
    %mul3A = vector.broadcast %div3A_12 : vector<2000x1xf32> to vector<2000x32xf32>
    %mul3A_24 = arith.mulf %add3A_23, %mul3A : vector<2000x32xf32>
    %get3A_25 = arith.constant 0 : index
    %get3A_26 = arith.constant 0 : index
    %get3A_27 = vector.load %arg3[%get3A_25, %get3A_26] : memref<2000x32xf32, #tpu.memory_space<vmem>>, vector<2000x32xf32>
    %add3A_28 = arith.addf %mul3A_24, %get3A_27 : vector<2000x32xf32>
    %get3A_29 = arith.constant 0 : index
    %get3A_30 = arith.constant 0 : index
    %get3A_31 = vector.load %arg4[%get3A_29, %get3A_30] : memref<1x32xf32, #tpu.memory_space<vmem>>, vector<1x32xf32>
    %add3A_32 = vector.broadcast %get3A_31 : vector<1x32xf32> to vector<2000x32xf32>
    %add3A_33 = arith.addf %add3A_28, %add3A_32 : vector<2000x32xf32>
    %swap3A = arith.constant 0 : index
    %swap3A_34 = arith.constant 0 : index
    %swap3A_35 = vector.load %arg5[%swap3A, %swap3A_34] : memref<2000x32xf32, #tpu.memory_space<vmem>>, vector<2000x32xf32>
    tpu.vector_store %arg5[%swap3A, %swap3A_34], %add3A_33 {strides = array<i32>} : memref<2000x32xf32, #tpu.memory_space<vmem>>, vector<2000x32xf32>,
    return
  }
  func.func @transform_0(%arg0: i32) -> (i32, i32, i32) {
    %c0_i32 = arith.constant 0 : i32
    %c0_i32_0 = arith.constant 0 : i32
    %c0_i32_1 = arith.constant 0 : i32
    return %c0_i32, %arg0, %c0_i32_0 : i32, i32, i32
  }
  func.func @transform_1(%arg0: i32) -> (i32, i32, i32) {
    %c0_i32 = arith.constant 0 : i32
    %c0_i32_0 = arith.constant 0 : i32
    %c0_i32_1 = arith.constant 0 : i32
    return %c0_i32, %arg0, %c0_i32_0 : i32, i32, i32
  }
  func.func @transform_2(%arg0: i32) -> (i32, i32) {
    %c0_i32 = arith.constant 0 : i32
    %c0_i32_0 = arith.constant 0 : i32
    return %arg0, %c0_i32 : i32, i32
  }
  func.func @transform_3(%arg0: i32) -> (i32, i32) {
    %c0_i32 = arith.constant 0 : i32
    %c0_i32_0 = arith.constant 0 : i32
    %c0_i32_1 = arith.constant 0 : i32
    return %c0_i32, %c0_i32_0 : i32, i32
  }
  func.func @transform_4(%arg0: i32) -> (i32, i32) {
    %c0_i32 = arith.constant 0 : i32
    %c0_i32_0 = arith.constant 0 : i32
    return %arg0, %c0_i32 : i32, i32
  }
}

</mosaic_0001>

<sc_bundles>
// kernel: kernel.12.cloned.1.call-start
scs
__scs_entry_jumppad:
0x0: {  	(pc) =	sbr.rel $0x88, $3  }
0x1: {  	(tag) =	ssettag $0x0;
	lr =	simm.s32 $0x1  }
0x2: {  	[smem:$0x3F97] =	sst lr;
	_ =	strace $0xD0000000  }
0x3: {  	_ = 	snop  }
0x4: {  	_ = 	snop  }
0x5: {  	_ = 	snop  }
0x6: {  	_ = 	snop  }
0x7: {  	_ = 	snop  }
__scs_overlays_trampoline_lowered:
0x8: {  	[smem:$0x3FA6] =	sst s0  }
0x9: {  	[smem:$0x3FA7] =	sst s1  }
0xa: {  	[smem:$0x3FA8] =	sst s2  }
0xb: {  	[smem:$0x3FA9] =	sst s3  }
0xc: {  	[smem:$0x3FAA] =	sst s4  }
0xd: {  	[smem:$0x3FAB] =	sst s5  }
0xe: {  	[smem:$0x3FAC] =	sst s6  }
0xf: {  	[smem:$0x3FAD] =	sst s7  }
0x10: {  	[smem:$0x3FAE] =	sst s8  }
0x11: {  	[smem:$0x3FAF] =	sst s9;
	s0 =	simm.s32 @!p0 $0x0  }
0x12: {  	s1 =	sld [smem:$0x3F95];
	s0 =	simm.s32 @p0 $0x1  }
0x13: {  	[smem:$0x3FB0] =	sst s0;
	s0 =	simm.s32 @!p1 $0x0  }
0x14: {  	s2 =	sld [smem:$0x3F94];
	s0 =	simm.s32 @p1 $0x1  }
0x15: {  	[smem:$0x3FB1] =	sst s0;
	s0 =	simm.s32 @!p2 $0x0  }
0x16: {  	s3 =	sld [smem:$0x3FDB];
	s0 =	simm.s32 @p2 $0x1  }
0x17: {  	s4 =	simm.s32 $0x1BF5;
	[smem:$0x3FB3] =	sst s0  }
0x18: {  	s0 =	sld [smem:$0x3F96];
	_ =	swait.ge [sflag:s4], $0x0  }
0x19: {  	s7 =	sld [smem:$0x3F97]  }
0x1a: {  	s8 =	sadd.s32 $0xFFFFE003, lr  }
0x1b: {  	s9 =	sadd.s32 $0xFFFFFEF7, lr;
	s5 =	simm.s32 $0xFFFFFFFF;
	p2 =	slt.u32 s8, $0xFFFFF086  }
0x1c: {  	p1 =	slt.u32 s9, $0xF7A;
	s5 =	simm.s32 @!p2 $0x0  }
0x1d: {  	s5 =	simm.s32 @p1 $0x1;
	p0 =	seq.s32 s7, s2  }
0x1e: {  	s7 =	smul.u32 @!p0 $0xF7A, s2;
	p2 =	seq.s32 @!p0 s5, $0x0  }
0x1f: {  	s9 =	smul.u32 $0xF7A, s1;
	s8 =	simm.s32 @!p0 $0x1BF5;
	p2 =	por !p2, p0  }
0x20: {  	[sflag:s8] =	ssyncset.s32 @!p0 $0xFFFFF086;
	s6 =	sadd.s32 @!p0 s3, s7;
	s7 =	simm.s32 @!p0 $0x108  }
0x21: {  	s3 =	sadd.s32 s3, s9;
	s6 =	sadd.s32 @!p0 $0x88, s6;
	s7 =	simm.s32 @p2 $0x1082  }
0x22: {  	[simem:s7], [sflag:s8] =	dma.local @!p0 [hbm:s6], $0xF7A  }
0x23: {  	s9 =	sor.u32 $0xD0000000, s2;
	s6 =	simm.s32 $0x108;
	_ =	swait.ge @!p0 [sflag:s8], $0x0  }
0x24: {  	s3 =	sadd.s32 $0x88, s3;
	s6 =	simm.s32 @!p1 $0x1082;
	[sflag:s4] =	ssyncset.s32 $0xFFFFF086  }
0x25: {  	[simem:s6], [sflag:s4] =	dma.local [hbm:s3], $0xF7A  }
0x26: {  	[smem:$0x3F97] =	sst s1;
	(tag) =	ssettag s2;
	_ =	strace s9  }
0x27: {  	s1 =	sld [smem:$0x3FA7]  }
0x28: {  	s2 =	sld [smem:$0x3FA8]  }
0x29: {  	s4 =	sld [smem:$0x3FAA]  }
0x2a: {  	p0 =	seq.s32 s5, $0x0;
	s5 =	sld [smem:$0x3FAB]  }
0x2b: {  	s6 =	sld [smem:$0x3FAC]  }
0x2c: {  	s7 =	sld [smem:$0x3FAD]  }
0x2d: {  	s3 =	simm.s32 $0x108;
	s8 =	sld [smem:$0x3FAE]  }
0x2e: {  	s3 =	simm.s32 @!p0 $0x1082;
	s9 =	sld [smem:$0x3FAF]  }
0x2f: {  	lr =	sadd.s32 s0, s3;
	s0 =	sld [smem:$0x3FA6]  }
0x30: {  	s3 =	sld [smem:$0x3FA9]  }
0x31: {  	[smem:$0x3FB2] =	sst s10  }
0x32: {  	s10 =	sld [smem:$0x3FB0];
	_ =	sdelay $0x3  }
0x33: {  	p0 =	seq.s32 s10, $0x1;
	s10 =	sld [smem:$0x3FB2];
	_ =	sdelay $0x3  }
0x34: {  	[smem:$0x3FB2] =	sst s10  }
0x35: {  	s10 =	sld [smem:$0x3FB1];
	_ =	sdelay $0x3  }
0x36: {  	p1 =	seq.s32 s10, $0x1;
	s10 =	sld [smem:$0x3FB2];
	_ =	sdelay $0x3  }
0x37: {  	[smem:$0x3FB2] =	sst s10  }
0x38: {  	s10 =	sld [smem:$0x3FB3]  }
0x39: {  	_ = 	snop;
	(pc) =	sbr.ind lr, $3  }
0x3a: {  	_ = 	snop  }
0x3b: {  	_ = 	snop  }
0x3c: {  	p2 =	seq.s32 s10, $0x1;
	s10 =	sld [smem:$0x3FB2]  }
0x3d: {  	_ =	shalt  }
0x3e: {  	_ =	shalt  }
0x3f: {  	_ =	shalt  }
0x40: {  	_ =	shalt  }
0x41: {  	_ =	shalt  }
0x42: {  	_ =	shalt  }
0x43: {  	_ =	shalt  }
0x44: {  	_ =	shalt  }
0x45: {  	_ =	shalt  }
0x46: {  	_ =	shalt  }
0x47: {  	_ =	shalt  }
0x48: {  	_ =	shalt  }
0x49: {  	_ =	shalt  }
0x4a: {  	_ =	shalt  }
0x4b: {  	_ =	shalt  }
0x4c: {  	_ =	shalt  }
0x4d: {  	_ =	shalt  }
0x4e: {  	_ =	shalt  }
0x4f: {  	_ =	shalt  }
0x50: {  	_ =	shalt  }
0x51: {  	_ =	shalt  }
0x52: {  	_ =	shalt  }
0x53: {  	_ =	shalt  }
0x54: {  	_ =	shalt  }
0x55: {  	_ =	shalt  }
0x56: {  	_ =	shalt  }
0x57: {  	_ =	shalt  }
0x58: {  	_ =	shalt  }
0x59: {  	_ =	shalt  }
0x5a: {  	_ =	shalt  }
0x5b: {  	_ =	shalt  }
0x5c: {  	_ =	shalt  }
0x5d: {  	_ =	shalt  }
0x5e: {  	_ =	shalt  }
0x5f: {  	_ =	shalt  }
0x60: {  	_ =	shalt  }
0x61: {  	_ =	shalt  }
0x62: {  	_ =	shalt  }
0x63: {  	_ =	shalt  }
0x64: {  	_ =	shalt  }
0x65: {  	_ =	shalt  }
0x66: {  	_ =	shalt  }
0x67: {  	_ =	shalt  }
0x68: {  	_ =	shalt  }
0x69: {  	_ =	shalt  }
0x6a: {  	_ =	shalt  }
0x6b: {  	_ =	shalt  }
0x6c: {  	_ =	shalt  }
0x6d: {  	_ =	shalt  }
0x6e: {  	_ =	shalt  }
0x6f: {  	_ =	shalt  }
0x70: {  	_ =	shalt  }
0x71: {  	_ =	shalt  }
0x72: {  	_ =	shalt  }
0x73: {  	_ =	shalt  }
0x74: {  	_ =	shalt  }
0x75: {  	_ =	shalt  }
0x76: {  	_ =	shalt  }
0x77: {  	_ =	shalt  }
0x78: {  	_ =	shalt  }
0x79: {  	_ =	shalt  }
0x7a: {  	_ =	shalt  }
0x7b: {  	_ =	shalt  }
0x7c: {  	_ =	shalt  }
0x7d: {  	_ =	shalt  }
0x7e: {  	_ =	shalt  }
0x7f: {  	_ =	shalt  }
0x80: {  	_ =	shalt  }
0x81: {  	_ =	shalt  }
0x82: {  	_ =	shalt  }
0x83: {  	_ =	shalt  }
0x84: {  	_ =	shalt  }
0x85: {  	_ =	shalt  }
0x86: {  	_ =	shalt  }
0x87: {  	_ =	shalt  }
.Lfunc_end0:
.L_simem_size_0:
called_computation.1_lowered:
.L_overlay_start_0:
0x88: {  	s2 =	sld [smem:$0x3FD9]  }
0x89: {  	s3 =	sld [smem:$0x3FFE];
	_ =	sdelay $0x1  }
0x8a: {  	s1 =	srdreg.scid  }
0x8b: {  	s0 =	sand.u32 $0x1, s1  }
0x8c: {  	s17 =	sshll.u32 s0, $0xA;
	s2 =	sadd.s32 s3, s2  }
0x8d: {  	s2 =	sadd.s32 s2, s17  }
0x8e: {  	[smem:$0x3FBE] =	sst s2  }
0x8f: {  	_ = 	snop  }
0x90: {  	s2 =	sld [smem:$0x3FD0];
	(tm) =	ssettm $0x1  }
0x91: {  	s18 =	sld [smem:$0x3FFB];
	_ =	sdelay $0x3  }
0x92: {  	_ =	strace s18  }
0x93: {  	s3 =	sld [smem:$0x3FFC];
	_ =	sdelay $0x3  }
0x94: {  	_ =	strace s3  }
0x95: {  	s3 =	sld [smem:$0x3FFD];
	_ =	sdelay $0x3  }
0x96: {  	_ =	strace s3  }
0x97: {  	_ =	strace $0x8FFFFFFF  }
0x98: {  	s19 =	sld [smem:$0x3FDB];
	_ =	sdelay $0x1  }
0x99: {  	s4 =	simm.s32 $_scs_section_size  }
0x9a: {  	s5 =	simm.s32 $_size__tile_overlayer_lowered;
	s6 =	simm.s32 $_tile_overlayer_lowered  }
0x9b: {  	s22 =	simm.s32 $0x1BFF;
	s21 =	sshll.u32 s6, $0x1;
	s3 =	sadd.s32 s4, s19  }
0x9c: {  	s7 =	simm.s32 $0x0;
	s20 =	sshll.u32 s5, $0x1;
	s5 =	sadd.s32 s21, s3  }
0x9d: {  	[timem:s7], [sflag:s22] =	dma.local [hbm:s5], s20  }
0x9e: {  	_ =	swait.ge [sflag:s22], s20  }
0x9f: {  	s4 =	ssub.s32 $0x0, s20;
	[sflag:s22] =	ssyncset.done $0x0  }
0xa0: {  	[sflag:s22] =	ssyncadd.s32 s4;
	_ =	sdelay $0x1  }
0xa1: {  	s23 =	simm.s32 $0x1B8B  }
0xa2: {  	_ =	swait.ge [sflag:s23], $0x1  }
0xa3: {  	[sflag:s23] =	ssyncset.done $0x0  }
0xa4: {  	s25 =	simm.s32 $0x1B8E;
	s24 =	sld [smem:$0x3FFE];
	[sflag:s23] =	ssyncadd.s32 $0xFFFFFFFF  }
0xa5: {  	s26 =	simm.s32 $execute0_lowered;
	[smem:$0x3FD2] =	sst s25  }
0xa6: {  	s5 =	sshll.u32 s26, $0x1;
	_ =	strace $0x80000049;
	[dreg:$0x1] =	wrdreg $0xFFFFFFFF  }
0xa7: {  	s28 =	simm.s32 $_size_execute0_lowered;
	s3 =	sadd.s32 s3, s5;
	[dreg:$0x0] =	wrdreg $0x0  }
0xa8: {  	s5 =	sshll.u32 s28, $0x1;
	[dreg:$0x2] =	wrdreg s3  }
0xa9: {  	[dreg:$0x3] =	wrdreg s5  }
0xaa: {  	[dreg:$0x4] =	wrdreg $0xC0  }
0xab: {  	_ =	task [dreg:s7], $0x5FFFF  }
0xac: {  	[dreg:$0x1] =	wrdreg $0xFFFFFFFF  }
0xad: {  	[dreg:$0x0] =	wrdreg $0x60  }
0xae: {  	[dreg:$0x2] =	wrdreg s24  }
0xaf: {  	[dreg:$0x3] =	wrdreg s2  }
0xb0: {  	[dreg:$0x4] =	wrdreg $0xB1300  }
0xb1: {  	[dreg:$0x5] =	wrdreg $0x9  }
0xb2: {  	_ =	task.clear_ibuf [dreg:s7], $0x6FFFF;
	_ =	strace $0x90000049  }
0xb3: {  	s29 =	simm.s32 $0x9;
	_ =	strace $0x8000004B  }
0xb4: {  	_ =	swait.ge [sflag:s29], $0x1  }
0xb5: {  	[sflag:s29] =	ssyncadd.s32 $0xFFFFFFFF  }
0xb6: {  	_ =	strace $0x9000004B  }
0xb7: {  	_ =	sfence  }
0xb8: {  	s30 =	sld [smem:$0x0];
	_ =	sdelay $0x2  }
0xb9: {  	s31 =	sshll.u32 s1, $0xD;
	s1 =	sshrl.u32 s1, $0x2  }
0xba: {  	s3 =	sand.u32 $0x4000, s31;
	s1 =	sadd.s32 s1, s30  }
0xbb: {  	s0 =	sor.u32 s3, s0;
	s1 =	sshll.u32 s1, $0x11  }
0xbc: {  	s0 =	sor.u32 s1, s0  }
0xbd: {  	s0 =	sadd.s32 $0x8F2B, s0  }
0xbe: {  	[sflag:s0] =	ssyncadd.remote.s32 $0x1  }
0xbf: {  	_ =	sfence.sel $0xFFFF  }
0xc0: {  	[dreg:$0x0] =	wrdreg $0xFFFFFFFF;
	(pc) =	sbr.abs _section_cstart, $3  }
0xc1: {  	[dreg:$0x1] =	wrdreg $0xFFFFFFFF  }
0xc2: {  	_ =	task.clear_ibuf [dreg:s7], $0x2FFFF;
	_ =	strace $0x9FFFFFFF  }
0xc3: {  	(tm) =	ssettm $0x7FFFFFFF  }
tec
execute0_lowered:
.L_overlay_start_1:
0x0: {  	(tag) =	ssettag $0x1  }
0x1: {  	s6 =	rddreg [dreg:$0x0]  }
0x2: {  	s2 =	rddreg [dreg:$0x1]  }
0x3: {  	s0 =	srdreg.scid;
	s3 =	rddreg [dreg:$0x2]  }
0x4: {  	s4 =	simm.s32 $0x0;
	s11 =	simm.s32 $0x4EC0;
	s14 =	simm.s32 $0x50  }
0x5: {  	s15 =	simm.s32 $0x9D30;
	s16 =	simm.s32 $0xA730;
	s17 =	simm.s32 $0x1  }
0x6: {  	s18 =	simm.s32 $0x2;
	s5 =	sand.u32 $0x1, s0;
	s0 =	stileid.u32  }
0x7: {  	s19 =	simm.s32 $0x0;
	[smem:$0x7FF] =	sst s4;
	s8 =	smul.u32 $0xA00, s0  }
0x8: {  	s1 =	sshll.u32 s5, $0x4;
	s9 =	smul.u32 $0xA000, s5;
	s30 =	ssub.s32 $0x2, s5  }
0x9: {  	s10 =	smul.u32 $0x14000, s0;
	s5 =	sadd.s32 $0x1DBA00, s6;
	s12 =	sshll.u32 s0, $0x6  }
0xa: {  	s1 =	sor.u32 s0, s1;
	s31 =	sshrl.u32 s30, $0x1;
	s12 =	sor.u32 $0x1C03, s12  }
0xb: {  	s7 =	smul.u32 $0x9C4, s1;
	s1 =	rddreg [dreg:$0x3];
	_ =	strace $0x8000004A  }
0xc: {  	s8 =	sadd.s32 s8, s9;
	s9 =	ssub.s32 s30, s31;
	s10 =	sshrl.u32 s10, $0x2  }
0xd: {  	s8 =	sadd.s32 s8, s6;
	s13 =	sadd.s32 s10, s3;
	s9 =	smax.u32 s9, $0x1  }
0xe: {  	s10 =	simm.s32 $0x3;
	s7 =	sadd.s32 s7, s6;
	s8 =	sadd.s32 $0x29800, s8  }
0xf: {  	v0 =	vimm.s32 $0x0;
	v1 =	vimm.s32 $0x27FF;
	s13 =	sshrl.u32 s13, $0x3;
	s6 =	sadd.s32 $0x15E00, s7;
	s7 =	sadd.s32 $0x2400, s7  }
.LBB2_1:
0x10: {  	[tilespmem:s4], [sflag:$0x3] =	stream.linear.gather [hbm4b:s6+s4], $0x4E20, $0x38;
	[tilespmem:$0x10130] =	vst v63  }
0x11: {  	_ =	swait.ge [sflag:s10], $0x4E20  }
0x12: {  	[sflag:s10] =	ssyncset.done $0x0  }
0x13: {  	[sflag:s10] =	ssyncadd.s32 $0xFFFFB1E0  }
0x14: {  	[tilespmem:s11], [sflag:$0x3] =	stream.linear.gather [hbm4b:s7+s4], $0x4E20, $0x38;
	[tilespmem:$0x10130] =	vst v63  }
0x15: {  	_ =	swait.ge [sflag:s10], $0x4E20  }
0x16: {  	[sflag:s10] =	ssyncset.done $0x0  }
0x17: {  	[sflag:s10] =	ssyncadd.s32 $0xFFFFB1E0  }
0x18: {  	[spmem:s13], [sflag:s12] =	dma.local [hbm:s2], $0xA00  }
0x19: {  	_ =	swait.ge [sflag:s10], $0xA00  }
0x1a: {  	[sflag:s10] =	ssyncset.done $0x0  }
0x1b: {  	[sflag:s10] =	ssyncadd.s32 $0xFFFFF600  }
0x1c: {  	[tilespmem:$0x4E20] =	vst v0  }
0x1d: {  	[tilespmem:$0x4E30] =	vst v0  }
0x1e: {  	[tilespmem:$0x4E40] =	vst v0  }
0x1f: {  	[tilespmem:$0x4E50] =	vst v0  }
0x20: {  	[tilespmem:$0x4E60] =	vst v0  }
0x21: {  	[tilespmem:$0x4E70] =	vst v0  }
0x22: {  	[tilespmem:$0x4E80] =	vst v0  }
0x23: {  	[tilespmem:$0x4E90] =	vst v0  }
0x24: {  	[tilespmem:$0x4EA0] =	vst v0  }
0x25: {  	[tilespmem:$0x4EB0] =	vst v0  }
0x26: {  	[tilespmem:$0x9CE0] =	vst v1  }
0x27: {  	[tilespmem:$0x9CF0] =	vst v1  }
0x28: {  	[tilespmem:$0x9D00] =	vst v1  }
0x29: {  	[tilespmem:$0x9D10] =	vst v1  }
0x2a: {  	[tilespmem:$0x9D20] =	vst v1  }
0x2b: {  	[bflag:$0x0] =	sbarrier.arrive $0xFFFF  }
0x2c: {  	[tilespmem:s15], [sflag:$0x1] =	stream.indirect.gather [hbm4b:s5+s14], $0x20, s4, s14, $0xb8;
	[tilespmem:$0x10130] =	vst v63  }
0x2d: {  	_ = 	snop  }
0x2e: {  	[tilespmem:s16], [sflag:$0x2] =	stream.indirect.gather [hbm4b:s5+s14], $0x20, s14, s14, $0xb8;
	[tilespmem:$0x10130] =	vst v63  }
0x2f: {  	_ =	swait.ge [sflag:s17], $0xA00  }
0x30: {  	[sflag:s17] =	ssyncset.done $0x0  }
0x31: {  	s20 =	simm.s32 $0x4EC0;
	[sflag:s17] =	ssyncadd.s32 $0xFFFFF600  }
0x32: {  	[spmem:s3] =	stream.indirect.scatter.add.f32 [tilespmem:s15], [sflag:$0x3], $0x20, s20, s14, $0xb8;
	[tilespmem:$0x10130] =	vst v63  }
0x33: {  	_ =	swait.ge [sflag:s10], $0xA00  }
0x34: {  	[sflag:s10] =	ssyncset.done $0x0  }
0x35: {  	s30 =	simm.s32 $0xA0;
	[sflag:s10] =	ssyncadd.s32 $0xFFFFF600  }
0x36: {  	[tilespmem:s15], [sflag:$0x1] =	stream.indirect.gather [hbm4b:s5+s14], $0x20, s30, s14, $0xb8;
	[tilespmem:$0x10130] =	vst v63  }
0x37: {  	_ =	swait.ge [sflag:s18], $0xA00  }
0x38: {  	[sflag:s18] =	ssyncset.done $0x0  }
0x39: {  	s31 =	simm.s32 $0x4F10;
	[sflag:s18] =	ssyncadd.s32 $0xFFFFF600  }
0x3a: {  	[spmem:s3] =	stream.indirect.scatter.add.f32 [tilespmem:s16], [sflag:$0x3], $0x20, s31, s14, $0xb8;
	[tilespmem:$0x10130] =	vst v63  }
0x3b: {  	_ =	swait.ge [sflag:s10], $0xA00  }
0x3c: {  	[sflag:s10] =	ssyncset.done $0x0  }
0x3d: {  	s21 =	simm.s32 $0xF0;
	s20 =	simm.s32 $0x280;
	[sflag:s10] =	ssyncadd.s32 $0xFFFFF600  }
.LBB2_2:
0x3e: {  	[tilespmem:s16], [sflag:$0x2] =	stream.indirect.gather [hbm4b:s5+s14], $0x20, s21, s14, $0xb8;
	[tilespmem:$0x10130] =	vst v63  }
0x3f: {  	s21 =	smov.u32 s20  }
0x40: {  	p0 =	sne.s32 s20, $0x13600;
	s20 =	sadd.s32 $0x280, s20;
	_ =	swait.ge [sflag:s17], $0xA00  }
0x41: {  	s21 =	sshra.s32 s21, $0x2;
	[sflag:s17] =	ssyncset.done $0x0  }
0x42: {  	s22 =	sadd.s32 $0x4EC0, s21;
	[sflag:s17] =	ssyncadd.s32 $0xFFFFF600  }
0x43: {  	[spmem:s3] =	stream.indirect.scatter.add.f32 [tilespmem:s15], [sflag:$0x3], $0x20, s22, s14, $0xb8;
	[tilespmem:$0x10130] =	vst v63  }
0x44: {  	_ =	swait.ge [sflag:s10], $0xA00  }
0x45: {  	[sflag:s10] =	ssyncset.done $0x0  }
0x46: {  	s22 =	sadd.s32 $0xA0, s21;
	[sflag:s10] =	ssyncadd.s32 $0xFFFFF600  }
0x47: {  	[tilespmem:s15], [sflag:$0x1] =	stream.indirect.gather [hbm4b:s5+s14], $0x20, s22, s14, $0xb8;
	[tilespmem:$0x10130] =	vst v63  }
0x48: {  	_ =	swait.ge [sflag:s18], $0xA00  }
0x49: {  	[sflag:s18] =	ssyncset.done $0x0  }
.Ltmp0:
0x4a: {  	s22 =	sadd.s32 $0x4F10, s21;
	[sflag:s18] =	ssyncadd.s32 $0xFFFFF600;
	(pc) =	sbr.rel @p0 .LBB2_2-.Ltmp0, $4  }
0x4b: {  	[spmem:s3] =	stream.indirect.scatter.add.f32 [tilespmem:s16], [sflag:$0x3], $0x20, s22, s14, $0xb8;
	[tilespmem:$0x10130] =	vst v63  }
0x4c: {  	_ =	swait.ge [sflag:s10], $0xA00  }
0x4d: {  	[sflag:s10] =	ssyncset.done $0x0  }
0x4e: {  	s21 =	sadd.s32 $0xF0, s21;
	[sflag:s10] =	ssyncadd.s32 $0xFFFFF600  }
0x4f: {  	[tilespmem:s16], [sflag:$0x2] =	stream.indirect.gather [hbm4b:s5+s14], $0x20, s21, s14, $0xb8;
	[tilespmem:$0x10130] =	vst v63  }
0x50: {  	_ =	swait.ge [sflag:s17], $0xA00  }
0x51: {  	[sflag:s17] =	ssyncset.done $0x0  }
0x52: {  	[sflag:s17] =	ssyncadd.s32 $0xFFFFF600  }
0x53: {  	_ =	swait.ge [sflag:s18], $0xA00  }
0x54: {  	s19 =	sadd.s32 $0x1, s19;
	[sflag:s18] =	ssyncset.done $0x0  }
0x55: {  	p0 =	sne.s32 s19, s9;
	[sflag:s18] =	ssyncadd.s32 $0xFFFFF600  }
.Ltmp1:
0x56: {  	[bflag:$0x0] =	sbarrier.arrive $0xFFFF;
	(pc) =	sbr.rel @p0 .LBB2_1-.Ltmp1, $4  }
0x57: {  	[hbm:s8], [sflag:s12] =	dma.local [spmem:s13], $0xA00  }
0x58: {  	_ =	swait.ge [sflag:s10], $0xA00  }
0x59: {  	[sflag:s10] =	ssyncset.done $0x0  }
0x5a: {  	[sflag:s10] =	ssyncadd.s32 $0xFFFFF600  }
0x5b: {  	_ =	sfence.sel $0x180000  }
0x5c: {  	[bflag:$0x0] =	sbarrier.arrive $0xFFFF  }
0x5d: {  	p0 =	sne.s32 s0, $0x0;
	_ =	strace $0x9000004A  }
0x5e: {  	s0 =	sadd.s32 @!p0 $0x100000, s1;
	[bflag:$0x2] =	sbarrier.arrive $0xFFFF  }
0x5f: {  	[sflag:s0] =	ssyncadd.tile.s32 @!p0 $0x1;
	_ =	shalt  }
.Lfunc_end2:
_tile_overlayer_lowered:
.L_overlay_start_2:
0x60: {  	(tag) =	ssettag $0x2  }
0x61: {  	s0 =	rddreg [dreg:$0x0];
	s2 =	stileid.u32  }
0x62: {  	s1 =	rddreg [dreg:$0x1];
	p0 =	sne.s32 s2, $0x0  }
0x63: {  	s3 =	rddreg [dreg:$0x2];
	[bflag:$0x3] =	sbarrier.arrive $0xFFFF;
	s2 =	simm.s32 @!p0 $0x1C03  }
0x64: {  	[timem:s3], [sflag:s2] =	dma.local @!p0 [hbm:s0], s1  }
0x65: {  	s0 =	simm.s32 @!p0 $0x3  }
0x66: {  	_ =	swait.ge @!p0 [sflag:s0], s1  }
0x67: {  	s1 =	ssub.s32 @!p0 $0x0, s1;
	[sflag:s0] =	ssyncset.done @!p0 $0x0  }
0x68: {  	[sflag:s0] =	ssyncadd.s32 @!p0 s1  }
0x69: {  	[bflag:$0x3] =	sbarrier.arrive $0xFFFF  }
0x6a: {  	_ =	shalt  }

// kernel: kernel.9.cloned.1.call-start
scs
__scs_entry_jumppad:
0x0: {  	(pc) =	sbr.rel $0x88, $3  }
0x1: {  	(tag) =	ssettag $0x0;
	lr =	simm.s32 $0x1  }
0x2: {  	[smem:$0x3F97] =	sst lr;
	_ =	strace $0xD0000000  }
0x3: {  	_ = 	snop  }
0x4: {  	_ = 	snop  }
0x5: {  	_ = 	snop  }
0x6: {  	_ = 	snop  }
0x7: {  	_ = 	snop  }
__scs_overlays_trampoline_lowered:
0x8: {  	[smem:$0x3FA6] =	sst s0  }
0x9: {  	[smem:$0x3FA7] =	sst s1  }
0xa: {  	[smem:$0x3FA8] =	sst s2  }
0xb: {  	[smem:$0x3FA9] =	sst s3  }
0xc: {  	[smem:$0x3FAA] =	sst s4  }
0xd: {  	[smem:$0x3FAB] =	sst s5  }
0xe: {  	[smem:$0x3FAC] =	sst s6  }
0xf: {  	[smem:$0x3FAD] =	sst s7  }
0x10: {  	[smem:$0x3FAE] =	sst s8  }
0x11: {  	[smem:$0x3FAF] =	sst s9;
	s0 =	simm.s32 @!p0 $0x0  }
0x12: {  	s1 =	sld [smem:$0x3F95];
	s0 =	simm.s32 @p0 $0x1  }
0x13: {  	[smem:$0x3FB0] =	sst s0;
	s0 =	simm.s32 @!p1 $0x0  }
0x14: {  	s2 =	sld [smem:$0x3F94];
	s0 =	simm.s32 @p1 $0x1  }
0x15: {  	[smem:$0x3FB1] =	sst s0;
	s0 =	simm.s32 @!p2 $0x0  }
0x16: {  	s3 =	sld [smem:$0x3FDB];
	s0 =	simm.s32 @p2 $0x1  }
0x17: {  	s4 =	simm.s32 $0x1BF5;
	[smem:$0x3FB3] =	sst s0  }
0x18: {  	s0 =	sld [smem:$0x3F96];
	_ =	swait.ge [sflag:s4], $0x0  }
0x19: {  	s7 =	sld [smem:$0x3F97]  }
0x1a: {  	s8 =	sadd.s32 $0xFFFFE003, lr  }
0x1b: {  	s9 =	sadd.s32 $0xFFFFFEF7, lr;
	s5 =	simm.s32 $0xFFFFFFFF;
	p2 =	slt.u32 s8, $0xFFFFF086  }
0x1c: {  	p1 =	slt.u32 s9, $0xF7A;
	s5 =	simm.s32 @!p2 $0x0  }
0x1d: {  	s5 =	simm.s32 @p1 $0x1;
	p0 =	seq.s32 s7, s2  }
0x1e: {  	s7 =	smul.u32 @!p0 $0xF7A, s2;
	p2 =	seq.s32 @!p0 s5, $0x0  }
0x1f: {  	s9 =	smul.u32 $0xF7A, s1;
	s8 =	simm.s32 @!p0 $0x1BF5;
	p2 =	por !p2, p0  }
0x20: {  	[sflag:s8] =	ssyncset.s32 @!p0 $0xFFFFF086;
	s6 =	sadd.s32 @!p0 s3, s7;
	s7 =	simm.s32 @!p0 $0x108  }
0x21: {  	s3 =	sadd.s32 s3, s9;
	s6 =	sadd.s32 @!p0 $0x88, s6;
	s7 =	simm.s32 @p2 $0x1082  }
0x22: {  	[simem:s7], [sflag:s8] =	dma.local @!p0 [hbm:s6], $0xF7A  }
0x23: {  	s9 =	sor.u32 $0xD0000000, s2;
	s6 =	simm.s32 $0x108;
	_ =	swait.ge @!p0 [sflag:s8], $0x0  }
0x24: {  	s3 =	sadd.s32 $0x88, s3;
	s6 =	simm.s32 @!p1 $0x1082;
	[sflag:s4] =	ssyncset.s32 $0xFFFFF086  }
0x25: {  	[simem:s6], [sflag:s4] =	dma.local [hbm:s3], $0xF7A  }
0x26: {  	[smem:$0x3F97] =	sst s1;
	(tag) =	ssettag s2;
	_ =	strace s9  }
0x27: {  	s1 =	sld [smem:$0x3FA7]  }
0x28: {  	s2 =	sld [smem:$0x3FA8]  }
0x29: {  	s4 =	sld [smem:$0x3FAA]  }
0x2a: {  	p0 =	seq.s32 s5, $0x0;
	s5 =	sld [smem:$0x3FAB]  }
0x2b: {  	s6 =	sld [smem:$0x3FAC]  }
0x2c: {  	s7 =	sld [smem:$0x3FAD]  }
0x2d: {  	s3 =	simm.s32 $0x108;
	s8 =	sld [smem:$0x3FAE]  }
0x2e: {  	s3 =	simm.s32 @!p0 $0x1082;
	s9 =	sld [smem:$0x3FAF]  }
0x2f: {  	lr =	sadd.s32 s0, s3;
	s0 =	sld [smem:$0x3FA6]  }
0x30: {  	s3 =	sld [smem:$0x3FA9]  }
0x31: {  	[smem:$0x3FB2] =	sst s10  }
0x32: {  	s10 =	sld [smem:$0x3FB0];
	_ =	sdelay $0x3  }
0x33: {  	p0 =	seq.s32 s10, $0x1;
	s10 =	sld [smem:$0x3FB2];
	_ =	sdelay $0x3  }
0x34: {  	[smem:$0x3FB2] =	sst s10  }
0x35: {  	s10 =	sld [smem:$0x3FB1];
	_ =	sdelay $0x3  }
0x36: {  	p1 =	seq.s32 s10, $0x1;
	s10 =	sld [smem:$0x3FB2];
	_ =	sdelay $0x3  }
0x37: {  	[smem:$0x3FB2] =	sst s10  }
0x38: {  	s10 =	sld [smem:$0x3FB3]  }
0x39: {  	_ = 	snop;
	(pc) =	sbr.ind lr, $3  }
0x3a: {  	_ = 	snop  }
0x3b: {  	_ = 	snop  }
0x3c: {  	p2 =	seq.s32 s10, $0x1;
	s10 =	sld [smem:$0x3FB2]  }
0x3d: {  	_ =	shalt  }
0x3e: {  	_ =	shalt  }
0x3f: {  	_ =	shalt  }
0x40: {  	_ =	shalt  }
0x41: {  	_ =	shalt  }
0x42: {  	_ =	shalt  }
0x43: {  	_ =	shalt  }
0x44: {  	_ =	shalt  }
0x45: {  	_ =	shalt  }
0x46: {  	_ =	shalt  }
0x47: {  	_ =	shalt  }
0x48: {  	_ =	shalt  }
0x49: {  	_ =	shalt  }
0x4a: {  	_ =	shalt  }
0x4b: {  	_ =	shalt  }
0x4c: {  	_ =	shalt  }
0x4d: {  	_ =	shalt  }
0x4e: {  	_ =	shalt  }
0x4f: {  	_ =	shalt  }
0x50: {  	_ =	shalt  }
0x51: {  	_ =	shalt  }
0x52: {  	_ =	shalt  }
0x53: {  	_ =	shalt  }
0x54: {  	_ =	shalt  }
0x55: {  	_ =	shalt  }
0x56: {  	_ =	shalt  }
0x57: {  	_ =	shalt  }
0x58: {  	_ =	shalt  }
0x59: {  	_ =	shalt  }
0x5a: {  	_ =	shalt  }
0x5b: {  	_ =	shalt  }
0x5c: {  	_ =	shalt  }
0x5d: {  	_ =	shalt  }
0x5e: {  	_ =	shalt  }
0x5f: {  	_ =	shalt  }
0x60: {  	_ =	shalt  }
0x61: {  	_ =	shalt  }
0x62: {  	_ =	shalt  }
0x63: {  	_ =	shalt  }
0x64: {  	_ =	shalt  }
0x65: {  	_ =	shalt  }
0x66: {  	_ =	shalt  }
0x67: {  	_ =	shalt  }
0x68: {  	_ =	shalt  }
0x69: {  	_ =	shalt  }
0x6a: {  	_ =	shalt  }
0x6b: {  	_ =	shalt  }
0x6c: {  	_ =	shalt  }
0x6d: {  	_ =	shalt  }
0x6e: {  	_ =	shalt  }
0x6f: {  	_ =	shalt  }
0x70: {  	_ =	shalt  }
0x71: {  	_ =	shalt  }
0x72: {  	_ =	shalt  }
0x73: {  	_ =	shalt  }
0x74: {  	_ =	shalt  }
0x75: {  	_ =	shalt  }
0x76: {  	_ =	shalt  }
0x77: {  	_ =	shalt  }
0x78: {  	_ =	shalt  }
0x79: {  	_ =	shalt  }
0x7a: {  	_ =	shalt  }
0x7b: {  	_ =	shalt  }
0x7c: {  	_ =	shalt  }
0x7d: {  	_ =	shalt  }
0x7e: {  	_ =	shalt  }
0x7f: {  	_ =	shalt  }
0x80: {  	_ =	shalt  }
0x81: {  	_ =	shalt  }
0x82: {  	_ =	shalt  }
0x83: {  	_ =	shalt  }
0x84: {  	_ =	shalt  }
0x85: {  	_ =	shalt  }
0x86: {  	_ =	shalt  }
0x87: {  	_ =	shalt  }
.Lfunc_end0:
.L_simem_size_0:
called_computation_lowered:
.L_overlay_start_0:
0x88: {  	s2 =	sld [smem:$0x3FD9]  }
0x89: {  	s3 =	sld [smem:$0x3FFE];
	_ =	sdelay $0x1  }
0x8a: {  	s1 =	srdreg.scid  }
0x8b: {  	s0 =	sand.u32 $0x1, s1  }
0x8c: {  	s17 =	sshll.u32 s0, $0xA;
	s2 =	sadd.s32 s3, s2  }
0x8d: {  	s2 =	sadd.s32 s2, s17  }
0x8e: {  	[smem:$0x3FBE] =	sst s2  }
0x8f: {  	_ = 	snop  }
0x90: {  	s2 =	sld [smem:$0x3FD0];
	(tm) =	ssettm $0x1  }
0x91: {  	s18 =	sld [smem:$0x3FFB];
	_ =	sdelay $0x3  }
0x92: {  	_ =	strace s18  }
0x93: {  	s3 =	sld [smem:$0x3FFC];
	_ =	sdelay $0x3  }
0x94: {  	_ =	strace s3  }
0x95: {  	s3 =	sld [smem:$0x3FFD];
	_ =	sdelay $0x3  }
0x96: {  	_ =	strace s3  }
0x97: {  	_ =	strace $0x8FFFFFFF  }
0x98: {  	s19 =	sld [smem:$0x3FDB];
	_ =	sdelay $0x1  }
0x99: {  	s4 =	simm.s32 $_scs_section_size  }
0x9a: {  	s5 =	simm.s32 $_size__tile_overlayer_lowered;
	s6 =	simm.s32 $_tile_overlayer_lowered  }
0x9b: {  	s22 =	simm.s32 $0x1BFF;
	s21 =	sshll.u32 s6, $0x1;
	s3 =	sadd.s32 s4, s19  }
0x9c: {  	s7 =	simm.s32 $0x0;
	s20 =	sshll.u32 s5, $0x1;
	s5 =	sadd.s32 s21, s3  }
0x9d: {  	[timem:s7], [sflag:s22] =	dma.local [hbm:s5], s20  }
0x9e: {  	_ =	swait.ge [sflag:s22], s20  }
0x9f: {  	s4 =	ssub.s32 $0x0, s20;
	[sflag:s22] =	ssyncset.done $0x0  }
0xa0: {  	[sflag:s22] =	ssyncadd.s32 s4;
	_ =	sdelay $0x1  }
0xa1: {  	s23 =	simm.s32 $0x1B8B  }
0xa2: {  	_ =	swait.ge [sflag:s23], $0x1  }
0xa3: {  	[sflag:s23] =	ssyncset.done $0x0  }
0xa4: {  	s25 =	simm.s32 $0x1B8E;
	s24 =	sld [smem:$0x3FFE];
	[sflag:s23] =	ssyncadd.s32 $0xFFFFFFFF  }
0xa5: {  	s26 =	simm.s32 $execute0_lowered;
	[smem:$0x3FD2] =	sst s25  }
0xa6: {  	s5 =	sshll.u32 s26, $0x1;
	_ =	strace $0x80000046;
	[dreg:$0x1] =	wrdreg $0xFFFFFFFF  }
0xa7: {  	s28 =	simm.s32 $_size_execute0_lowered;
	s3 =	sadd.s32 s3, s5;
	[dreg:$0x0] =	wrdreg $0x0  }
0xa8: {  	s5 =	sshll.u32 s28, $0x1;
	[dreg:$0x2] =	wrdreg s3  }
0xa9: {  	[dreg:$0x3] =	wrdreg s5  }
0xaa: {  	[dreg:$0x4] =	wrdreg $0xC0  }
0xab: {  	_ =	task [dreg:s7], $0x5FFFF  }
0xac: {  	[dreg:$0x1] =	wrdreg $0xFFFFFFFF  }
0xad: {  	[dreg:$0x0] =	wrdreg $0x60  }
0xae: {  	[dreg:$0x2] =	wrdreg s24  }
0xaf: {  	[dreg:$0x3] =	wrdreg s2  }
0xb0: {  	[dreg:$0x4] =	wrdreg $0xC7B00  }
0xb1: {  	[dreg:$0x5] =	wrdreg $0x167B00  }
0xb2: {  	[dreg:$0x6] =	wrdreg $0x9  }
0xb3: {  	_ =	task.clear_ibuf [dreg:s7], $0x7FFFF;
	_ =	strace $0x90000046  }
0xb4: {  	s29 =	simm.s32 $0x9;
	_ =	strace $0x80000048  }
0xb5: {  	_ =	swait.ge [sflag:s29], $0x1  }
0xb6: {  	[sflag:s29] =	ssyncadd.s32 $0xFFFFFFFF  }
0xb7: {  	_ =	strace $0x90000048  }
0xb8: {  	_ =	sfence  }
0xb9: {  	s30 =	sld [smem:$0x0];
	_ =	sdelay $0x2  }
0xba: {  	s31 =	sshll.u32 s1, $0xD;
	s1 =	sshrl.u32 s1, $0x2  }
0xbb: {  	s3 =	sand.u32 $0x4000, s31;
	s1 =	sadd.s32 s1, s30  }
0xbc: {  	s0 =	sor.u32 s3, s0;
	s1 =	sshll.u32 s1, $0x11  }
0xbd: {  	s0 =	sor.u32 s1, s0  }
0xbe: {  	s0 =	sadd.s32 $0x8F2B, s0  }
0xbf: {  	[sflag:s0] =	ssyncadd.remote.s32 $0x1  }
0xc0: {  	_ =	sfence.sel $0xFFFF  }
0xc1: {  	[dreg:$0x0] =	wrdreg $0xFFFFFFFF;
	(pc) =	sbr.abs _section_cstart, $3  }
0xc2: {  	[dreg:$0x1] =	wrdreg $0xFFFFFFFF  }
0xc3: {  	_ =	task.clear_ibuf [dreg:s7], $0x2FFFF;
	_ =	strace $0x9FFFFFFF  }
0xc4: {  	(tm) =	ssettm $0x7FFFFFFF  }
0xc5: {  	_ =	shalt  }
tec
execute0_lowered:
.L_overlay_start_1:
0x0: {  	(tag) =	ssettag $0x1  }
0x1: {  	s9 =	rddreg [dreg:$0x0]  }
0x2: {  	s12 =	rddreg [dreg:$0x1]  }
0x3: {  	s2 =	rddreg [dreg:$0x2]  }
0x4: {  	s0 =	srdreg.scid;
	s3 =	rddreg [dreg:$0x3]  }
0x5: {  	s1 =	stileid.u32;
	s4 =	simm.s32 $0x0;
	s19 =	simm.s32 $0xC530  }
0x6: {  	s20 =	simm.s32 $0x50;
	s21 =	simm.s32 $0x9D30;
	s22 =	simm.s32 $0x9CE0  }
0x7: {  	s23 =	simm.s32 $0xB130;
	s24 =	simm.s32 $0x1;
	s28 =	simm.s32 $0x4  }
0x8: {  	s29 =	simm.s32 $0x0;
	s10 =	sand.u32 $0x1, s0;
	s11 =	smul.u32 $0x280, s1  }
0x9: {  	[smem:$0x7FF] =	sst s4;
	s6 =	sadd.s32 $0x29800, s9;
	s25 =	smul.u32 $0x28000, s1  }
0xa: {  	s7 =	sadd.s32 $0x2AC00, s9;
	s8 =	sadd.s32 $0x2B000, s9;
	s17 =	smul.u32 $0x5000, s1  }
0xb: {  	s31 =	sshll.u32 s1, $0x6;
	s5 =	sshll.u32 s10, $0x4;
	_ =	strace $0x80000047  }
0xc: {  	s14 =	smul.u32 $0x2800, s10;
	s10 =	ssub.s32 $0x2, s10;
	s5 =	sor.u32 s1, s5  }
0xd: {  	s16 =	sshrl.u32 s10, $0x1;
	s26 =	sshrl.u32 s17, $0x2;
	s5 =	smul.u32 $0x9C4, s5  }
0xe: {  	s14 =	sadd.s32 s11, s14;
	s16 =	ssub.s32 s10, s16;
	s11 =	sshrl.u32 s25, $0x2  }
0xf: {  	s18 =	sadd.s32 s26, s3;
	s25 =	simm.s32 $0x3;
	s26 =	simm.s32 $0x2  }
0x10: {  	s15 =	sshll.u32 s14, $0x3;
	s30 =	sadd.s32 s11, s2;
	s12 =	sadd.s32 s12, s14  }
0x11: {  	s14 =	simm.s32 $0x5;
	s18 =	sshrl.u32 s18, $0x3;
	s13 =	sadd.s32 s5, s9  }
0x12: {  	s5 =	sadd.s32 $0x14E600, s9;
	s15 =	sadd.s32 s15, s9;
	s17 =	sshrl.u32 s30, $0x3  }
0x13: {  	s9 =	sadd.s32 $0x15E00, s13;
	s10 =	sadd.s32 $0x2400, s13;
	s11 =	sadd.s32 $0x2B200, s15  }
0x14: {  	v0 =	vimm.s32 $0x0;
	v1 =	vimm.s32 $0x27FF;
	s13 =	smax.u32 s16, $0x1;
	s15 =	simm.s32 $0x4EC0;
	s16 =	sor.u32 $0x1C05, s31  }
.LBB2_1:
0x15: {  	[tilespmem:s4], [sflag:$0x5] =	stream.linear.gather [hbm4b:s9+s4], $0x4E20, $0x38;
	[tilespmem:$0x17BB0] =	vst v63  }
0x16: {  	_ =	swait.ge [sflag:s14], $0x4E20  }
0x17: {  	[sflag:s14] =	ssyncset.done $0x0  }
0x18: {  	[sflag:s14] =	ssyncadd.s32 $0xFFFFB1E0  }
0x19: {  	[tilespmem:s15], [sflag:$0x5] =	stream.linear.gather [hbm4b:s10+s4], $0x4E20, $0x38;
	[tilespmem:$0x17BB0] =	vst v63  }
0x1a: {  	_ =	swait.ge [sflag:s14], $0x4E20  }
0x1b: {  	[sflag:s14] =	ssyncset.done $0x0  }
0x1c: {  	[sflag:s14] =	ssyncadd.s32 $0xFFFFB1E0  }
0x1d: {  	[spmem:s17], [sflag:s16] =	dma.local [hbm:s6], $0x1400  }
0x1e: {  	_ =	swait.ge [sflag:s14], $0x1400  }
0x1f: {  	[sflag:s14] =	ssyncset.done $0x0  }
0x20: {  	[sflag:s14] =	ssyncadd.s32 $0xFFFFEC00  }
0x21: {  	[spmem:s18], [sflag:s16] =	dma.local [hbm:s7], $0x280  }
0x22: {  	_ =	swait.ge [sflag:s14], $0x280  }
0x23: {  	[sflag:s14] =	ssyncset.done $0x0  }
0x24: {  	[sflag:s14] =	ssyncadd.s32 $0xFFFFFD80  }
0x25: {  	[tilespmem:s19], [sflag:$0x5] =	stream.linear.gather [hbm4b:s8+s4], $0x280, $0x38;
	[tilespmem:$0x17BB0] =	vst v63  }
0x26: {  	_ =	swait.ge [sflag:s14], $0x280  }
0x27: {  	[sflag:s14] =	ssyncset.done $0x0  }
0x28: {  	[sflag:s14] =	ssyncadd.s32 $0xFFFFFD80  }
0x29: {  	[tilespmem:$0x4E20] =	vst v0  }
0x2a: {  	[tilespmem:$0x4E30] =	vst v0  }
0x2b: {  	[tilespmem:$0x4E40] =	vst v0  }
0x2c: {  	[tilespmem:$0x4E50] =	vst v0  }
0x2d: {  	[tilespmem:$0x4E60] =	vst v0  }
0x2e: {  	[tilespmem:$0x4E70] =	vst v0  }
0x2f: {  	[tilespmem:$0x4E80] =	vst v0  }
0x30: {  	[tilespmem:$0x4E90] =	vst v0  }
0x31: {  	[tilespmem:$0x4EA0] =	vst v0  }
0x32: {  	[tilespmem:$0x4EB0] =	vst v0  }
0x33: {  	[tilespmem:$0x9CE0] =	vst v1  }
0x34: {  	[tilespmem:$0x9CF0] =	vst v1  }
0x35: {  	[tilespmem:$0x9D00] =	vst v1  }
0x36: {  	[tilespmem:$0x9D10] =	vst v1  }
0x37: {  	[tilespmem:$0x9D20] =	vst v1  }
0x38: {  	[bflag:$0x0] =	sbarrier.arrive $0xFFFF  }
0x39: {  	[tilespmem:s21], [sflag:$0x1] =	stream.indirect.gather [hbm4b:s5+s20], $0x40, s4, s20, $0xb8;
	[tilespmem:$0x17BB0] =	vst v63  }
0x3a: {  	_ = 	snop  }
0x3b: {  	[spmem:s3] =	stream.indirect.scatter.add.f32 [tilespmem:s19], [sflag:$0x3], $0x8, s22, s20, $0xb8;
	[tilespmem:$0x17BB0] =	vst v63  }
0x3c: {  	_ = 	snop  }
0x3d: {  	[tilespmem:s23], [sflag:$0x2] =	stream.indirect.gather [hbm4b:s5+s20], $0x40, s20, s20, $0xb8;
	[tilespmem:$0x17BB0] =	vst v63  }
0x3e: {  	_ = 	snop  }
0x3f: {  	[spmem:s3] =	stream.indirect.scatter.add.f32 [tilespmem:s19], [sflag:$0x4], $0x8, s22, s20, $0xb8;
	[tilespmem:$0x17BB0] =	vst v63  }
0x40: {  	_ =	swait.ge [sflag:s24], $0x1400  }
0x41: {  	[sflag:s24] =	ssyncset.done $0x0  }
0x42: {  	s30 =	simm.s32 $0x4EC0;
	[sflag:s24] =	ssyncadd.s32 $0xFFFFEC00  }
0x43: {  	[spmem:s2] =	stream.indirect.scatter.add.f32 [tilespmem:s21], [sflag:$0x5], $0x40, s30, s20, $0xb8;
	[tilespmem:$0x17BB0] =	vst v63  }
0x44: {  	_ =	swait.ge [sflag:s14], $0x1400  }
0x45: {  	[sflag:s14] =	ssyncset.done $0x0  }
0x46: {  	[sflag:s14] =	ssyncadd.s32 $0xFFFFEC00  }
0x47: {  	_ =	swait.ge [sflag:s25], $0x280  }
0x48: {  	[sflag:s25] =	ssyncset.done $0x0  }
0x49: {  	[sflag:s25] =	ssyncadd.s32 $0xFFFFFD80  }
0x4a: {  	[spmem:s3] =	stream.indirect.scatter.add.f32 [tilespmem:s19], [sflag:$0x3], $0x8, s30, s20, $0xb8;
	[tilespmem:$0x17BB0] =	vst v63  }
0x4b: {  	s30 =	simm.s32 $0xA0  }
0x4c: {  	[tilespmem:s21], [sflag:$0x1] =	stream.indirect.gather [hbm4b:s5+s20], $0x40, s30, s20, $0xb8;
	[tilespmem:$0x17BB0] =	vst v63  }
0x4d: {  	_ =	swait.ge [sflag:s26], $0x1400  }
0x4e: {  	[sflag:s26] =	ssyncset.done $0x0  }
0x4f: {  	s30 =	simm.s32 $0x4F10;
	[sflag:s26] =	ssyncadd.s32 $0xFFFFEC00  }
0x50: {  	[spmem:s2] =	stream.indirect.scatter.add.f32 [tilespmem:s23], [sflag:$0x5], $0x40, s30, s20, $0xb8;
	[tilespmem:$0x17BB0] =	vst v63  }
0x51: {  	_ =	swait.ge [sflag:s14], $0x1400  }
0x52: {  	[sflag:s14] =	ssyncset.done $0x0  }
0x53: {  	[sflag:s14] =	ssyncadd.s32 $0xFFFFEC00  }
0x54: {  	_ =	swait.ge [sflag:s28], $0x280  }
0x55: {  	[sflag:s28] =	ssyncset.done $0x0  }
0x56: {  	[sflag:s28] =	ssyncadd.s32 $0xFFFFFD80  }
0x57: {  	[spmem:s3] =	stream.indirect.scatter.add.f32 [tilespmem:s19], [sflag:$0x4], $0x8, s30, s20, $0xb8;
	[tilespmem:$0x17BB0] =	vst v63  }
0x58: {  	s31 =	simm.s32 $0xF0;
	s30 =	simm.s32 $0x280  }
.LBB2_2:
0x59: {  	[tilespmem:s23], [sflag:$0x2] =	stream.indirect.gather [hbm4b:s5+s20], $0x40, s31, s20, $0xb8;
	[tilespmem:$0x17BB0] =	vst v63  }
0x5a: {  	s31 =	smov.u32 s30  }
0x5b: {  	p0 =	sne.s32 s30, $0x13600;
	s30 =	sadd.s32 $0x280, s30;
	_ =	swait.ge [sflag:s24], $0x1400  }
0x5c: {  	s31 =	sshra.s32 s31, $0x2;
	[sflag:s24] =	ssyncset.done $0x0  }
0x5d: {  	s0 =	sadd.s32 $0x4EC0, s31;
	[sflag:s24] =	ssyncadd.s32 $0xFFFFEC00  }
0x5e: {  	[spmem:s2] =	stream.indirect.scatter.add.f32 [tilespmem:s21], [sflag:$0x5], $0x40, s0, s20, $0xb8;
	[tilespmem:$0x17BB0] =	vst v63  }
0x5f: {  	_ =	swait.ge [sflag:s14], $0x1400  }
0x60: {  	[sflag:s14] =	ssyncset.done $0x0  }
0x61: {  	[sflag:s14] =	ssyncadd.s32 $0xFFFFEC00  }
0x62: {  	_ =	swait.ge [sflag:s25], $0x280  }
0x63: {  	[sflag:s25] =	ssyncset.done $0x0  }
0x64: {  	[sflag:s25] =	ssyncadd.s32 $0xFFFFFD80  }
0x65: {  	[spmem:s3] =	stream.indirect.scatter.add.f32 [tilespmem:s19], [sflag:$0x3], $0x8, s0, s20, $0xb8;
	[tilespmem:$0x17BB0] =	vst v63  }
0x66: {  	s0 =	sadd.s32 $0xA0, s31  }
0x67: {  	[tilespmem:s21], [sflag:$0x1] =	stream.indirect.gather [hbm4b:s5+s20], $0x40, s0, s20, $0xb8;
	[tilespmem:$0x17BB0] =	vst v63  }
0x68: {  	_ =	swait.ge [sflag:s26], $0x1400  }
0x69: {  	[sflag:s26] =	ssyncset.done $0x0  }
0x6a: {  	s0 =	sadd.s32 $0x4F10, s31;
	[sflag:s26] =	ssyncadd.s32 $0xFFFFEC00  }
0x6b: {  	[spmem:s2] =	stream.indirect.scatter.add.f32 [tilespmem:s23], [sflag:$0x5], $0x40, s0, s20, $0xb8;
	[tilespmem:$0x17BB0] =	vst v63  }
0x6c: {  	_ =	swait.ge [sflag:s14], $0x1400  }
0x6d: {  	[sflag:s14] =	ssyncset.done $0x0  }
0x6e: {  	[sflag:s14] =	ssyncadd.s32 $0xFFFFEC00  }
.Ltmp0:
0x6f: {  	_ =	swait.ge [sflag:s28], $0x280;
	(pc) =	sbr.rel @p0 .LBB2_2-.Ltmp0, $4  }
0x70: {  	[sflag:s28] =	ssyncset.done $0x0  }
0x71: {  	[sflag:s28] =	ssyncadd.s32 $0xFFFFFD80  }
0x72: {  	[spmem:s3] =	stream.indirect.scatter.add.f32 [tilespmem:s19], [sflag:$0x4], $0x8, s0, s20, $0xb8;
	[tilespmem:$0x17BB0] =	vst v63  }
0x73: {  	s31 =	sadd.s32 $0xF0, s31  }
0x74: {  	[tilespmem:s23], [sflag:$0x2] =	stream.indirect.gather [hbm4b:s5+s20], $0x40, s31, s20, $0xb8;
	[tilespmem:$0x17BB0] =	vst v63  }
0x75: {  	_ =	swait.ge [sflag:s24], $0x1400  }
0x76: {  	[sflag:s24] =	ssyncset.done $0x0  }
0x77: {  	[sflag:s24] =	ssyncadd.s32 $0xFFFFEC00  }
0x78: {  	_ =	swait.ge [sflag:s25], $0x280  }
0x79: {  	[sflag:s25] =	ssyncset.done $0x0  }
0x7a: {  	[sflag:s25] =	ssyncadd.s32 $0xFFFFFD80  }
0x7b: {  	_ =	swait.ge [sflag:s26], $0x1400  }
0x7c: {  	[sflag:s26] =	ssyncset.done $0x0  }
0x7d: {  	[sflag:s26] =	ssyncadd.s32 $0xFFFFEC00  }
0x7e: {  	_ =	swait.ge [sflag:s28], $0x280  }
0x7f: {  	[sflag:s28] =	ssyncset.done $0x0  }
0x80: {  	[sflag:s28] =	ssyncadd.s32 $0xFFFFFD80  }
0x81: {  	[bflag:$0x0] =	sbarrier.arrive $0xFFFF  }
0x82: {  	[hbm:s11], [sflag:s16] =	dma.local [spmem:s17], $0x1400  }
0x83: {  	s29 =	sadd.s32 $0x1, s29;
	_ =	swait.ge [sflag:s14], $0x1400  }
0x84: {  	p0 =	sne.s32 s29, s13;
	[sflag:s14] =	ssyncset.done $0x0  }
.Ltmp1:
0x85: {  	[sflag:s14] =	ssyncadd.s32 $0xFFFFEC00;
	(pc) =	sbr.rel @p0 .LBB2_1-.Ltmp1, $4  }
0x86: {  	[hbm:s12], [sflag:s16] =	dma.local [spmem:s18], $0x280  }
0x87: {  	_ =	swait.ge [sflag:s14], $0x280  }
0x88: {  	[sflag:s14] =	ssyncset.done $0x0  }
0x89: {  	[sflag:s14] =	ssyncadd.s32 $0xFFFFFD80  }
0x8a: {  	_ =	sfence.sel $0x180000  }
0x8b: {  	[bflag:$0x0] =	sbarrier.arrive $0xFFFF  }
0x8c: {  	_ =	strace $0x90000047  }
0x8d: {  	[bflag:$0x2] =	sbarrier.arrive $0xFFFF  }
0x8e: {  	p0 =	sne.s32 s1, $0x0;
	s0 =	rddreg [dreg:$0x4]  }
0x8f: {  	s0 =	sadd.s32 @!p0 $0x100000, s0  }
0x90: {  	[sflag:s0] =	ssyncadd.tile.s32 @!p0 $0x1;
	_ =	shalt  }
.Lfunc_end2:
_tile_overlayer_lowered:
.L_overlay_start_2:
0x91: {  	(tag) =	ssettag $0x2  }
0x92: {  	s0 =	rddreg [dreg:$0x0];
	s2 =	stileid.u32  }
0x93: {  	s1 =	rddreg [dreg:$0x1];
	p0 =	sne.s32 s2, $0x0  }
0x94: {  	s3 =	rddreg [dreg:$0x2];
	[bflag:$0x3] =	sbarrier.arrive $0xFFFF;
	s2 =	simm.s32 @!p0 $0x1C05  }
0x95: {  	[timem:s3], [sflag:s2] =	dma.local @!p0 [hbm:s0], s1  }
0x96: {  	s0 =	simm.s32 @!p0 $0x5  }
0x97: {  	_ =	swait.ge @!p0 [sflag:s0], s1  }
0x98: {  	s1 =	ssub.s32 @!p0 $0x0, s1;
	[sflag:s0] =	ssyncset.done @!p0 $0x0  }
0x99: {  	[sflag:s0] =	ssyncadd.s32 @!p0 s1  }
0x9a: {  	[bflag:$0x3] =	sbarrier.arrive $0xFFFF  }
0x9b: {  	_ =	shalt  }

</sc_bundles>
